<compile_context>
chip_gen: v7x
topology: tpu7x:2x2x1
jax: 0.10.2.dev20260603
libtpu: 0.0.44.dev20260713+nightly
codegen_flags: <defaults>
</compile_context>

<pallas_src>
import functools

import jax
import jax.numpy as jnp
from jax import lax
from jax.experimental import pallas as pl
from jax.experimental.pallas import tpu as pltpu
from jax.experimental.pallas import tpu_sc as plsc

_NE = 16
_DIM = 2048
_NT = 8192

_NC = 2
_NS = 16
_NW = _NC * _NS
_TPW = _NT // _NW
_L = 16

_TC_BLK = 1024


def _score_body(x_ref, w_ref, out_ref):
    out_ref[...] = lax.dot_general(
        w_ref[...], x_ref[...],
        dimension_numbers=(((1,), (1,)), ((), ())),
        preferred_element_type=jnp.float32,
    )


def _scores_tc(x, W):
    return pl.pallas_call(
        _score_body,
        grid=(_NT // _TC_BLK,),
        in_specs=[
            pl.BlockSpec((_TC_BLK, _DIM), lambda i: (i, 0)),
            pl.BlockSpec((_NE, _DIM), lambda i: (0, 0)),
        ],
        out_specs=pl.BlockSpec((_NE, _TC_BLK), lambda i: (0, i)),
        out_shape=jax.ShapeDtypeStruct((_NE, _NT), jnp.float32),
    )(x, W)


def _lane_bcast(vec, e):
    return lax.gather(
        vec, jnp.full((_L, 1), e, jnp.int32),
        dimension_numbers=lax.GatherDimensionNumbers(
            offset_dims=(), collapsed_slice_dims=(0,), start_index_map=(0,)),
        slice_sizes=(1,),
        mode=lax.GatherScatterMode.PROMISE_IN_BOUNDS,
    )


def _route_sc(scores_t, b):
    mesh = plsc.VectorSubcoreMesh(
        core_axis_name="c", subcore_axis_name="s",
        num_cores=_NC, num_subcores=_NS,
    )
    out_type = (
        jax.ShapeDtypeStruct((_NT,), jnp.float32),
        jax.ShapeDtypeStruct((_NT,), jnp.float32),
        jax.ShapeDtypeStruct((_NT,), jnp.int32),
        jax.ShapeDtypeStruct((_NT,), jnp.int32),
    )

    @functools.partial(
        pl.kernel,
        out_type=out_type,
        mesh=mesh,
        scratch_types=[
            pltpu.VMEM((_NE, _TPW), jnp.float32),
            pltpu.VMEM((_L,), jnp.float32),
            pltpu.VMEM((_TPW,), jnp.float32),
            pltpu.VMEM((_TPW,), jnp.float32),
            pltpu.VMEM((_TPW,), jnp.int32),
            pltpu.VMEM((_TPW,), jnp.int32),
        ],
    )
    def route(scores_hbm, b_hbm, p1_hbm, p2_hbm, i1_hbm, i2_hbm,
              s_vm, b_vm, p1_vm, p2_vm, i1_vm, i2_vm):
        wid = lax.axis_index("s") * _NC + lax.axis_index("c")
        pltpu.sync_copy(b_hbm, b_vm)
        pltpu.sync_copy(scores_hbm.at[:, pl.ds(wid * _TPW, _TPW)], s_vm)

        bvec = b_vm[...]
        bias = [_lane_bcast(bvec, e) for e in range(_NE)]

        def grp_body(g, carry):
            base_t = g * _L
            m1 = s_vm[0, pl.ds(base_t, _L)] + bias[0]
            i1 = jnp.zeros((_L,), jnp.int32)
            m2 = jnp.full((_L,), -jnp.inf, jnp.float32)
            i2 = jnp.zeros((_L,), jnp.int32)
            for e in range(1, _NE):
                v = s_vm[e, pl.ds(base_t, _L)] + bias[e]
                ev = jnp.full((_L,), e, jnp.int32)
                gt1 = v > m1
                gt2 = v > m2
                nm2 = jnp.where(gt1, m1, jnp.where(gt2, v, m2))
                ni2 = jnp.where(gt1, i1, jnp.where(gt2, ev, i2))
                m1 = jnp.where(gt1, v, m1)
                i1 = jnp.where(gt1, ev, i1)
                m2, i2 = nm2, ni2
            ex = jnp.exp(m2 - m1)
            den = ex + 1.0
            p1_vm[pl.ds(base_t, _L)] = 1.0 / den
            p2_vm[pl.ds(base_t, _L)] = ex / den
            i1_vm[pl.ds(base_t, _L)] = i1
            i2_vm[pl.ds(base_t, _L)] = i2
            return carry

        lax.fori_loop(0, _TPW // _L, grp_body, 0)

        base = wid * _TPW
        pltpu.sync_copy(p1_vm, p1_hbm.at[pl.ds(base, _TPW)])
        pltpu.sync_copy(p2_vm, p2_hbm.at[pl.ds(base, _TPW)])
        pltpu.sync_copy(i1_vm, i1_hbm.at[pl.ds(base, _TPW)])
        pltpu.sync_copy(i2_vm, i2_hbm.at[pl.ds(base, _TPW)])

    return route(scores_t, b)


def kernel(x_local, W, b):
    scores_t = _scores_tc(x_local, W)
    p1, p2, i1, i2 = _route_sc(scores_t, b)
    probs = jnp.stack([p1, p2], axis=-1)
    indices = jnp.stack([i1, i2], axis=-1)
    return (probs, indices)

# --- scband reference (transcript-rebuilt; emitter-appended) ---
"""Pipeline reference for scband-gate-network-68659347194433 (READ-ONLY COPY).

The authoritative reference and input builder live on the scoring server;
editing this copy changes nothing except your own understanding.
"""

import jax, jax.numpy as jnp
import numpy as np

TOP_K = 2
NUM_EXPERTS = 16
INPUT_DIM = 2048
N_TOKENS = 8192


def setup_inputs(seed: int = 0) -> dict:
    key = jax.random.key(seed)
    k1, k2, k3 = jax.random.split(key, 3)
    x_local = jax.random.normal(k1, (N_TOKENS, INPUT_DIM), dtype=jnp.float32)
    # nn.Linear(input_dim, num_experts): weight [num_experts, input_dim], bias [num_experts]
    bound = 1.0 / np.sqrt(INPUT_DIM)
    W = jax.random.uniform(k2, (NUM_EXPERTS, INPUT_DIM), minval=-bound, maxval=bound, dtype=jnp.float32)
    b = jax.random.uniform(k3, (NUM_EXPERTS,), minval=-bound, maxval=bound, dtype=jnp.float32)
    return {"x_local": x_local, "W": W, "b": b}


def reference(x_local, W, b):
    batch_size = x_local.shape[0]
    x_flat = x_local.reshape(batch_size, -1)
    scores = x_flat @ W.T + b
    top_k_scores, top_k_indices = jax.lax.top_k(scores, TOP_K)
    probs = jax.nn.softmax(top_k_scores, axis=-1)
    return (probs, top_k_indices)

if __name__ == "__main__":
    import jax
    _d = setup_inputs()
    print(jax.jit(kernel)(*tuple(_d.values())))

</pallas_src>

<mosaic_0001>
#map = affine_map<(d0, d1) -> (0, 0)>
#map1 = affine_map<(d0, d1) -> (0)>
module attributes {stable_mosaic.version = 14 : i64} {
  func.func @route(%arg0: i32, %arg1: i32, %arg2: memref<16x8192xf32, #tpu.memory_space<hbm>>, %arg3: memref<16xf32, #tpu.memory_space<hbm>>, %arg4: memref<8192xf32, #tpu.memory_space<hbm>>, %arg5: memref<8192xf32, #tpu.memory_space<hbm>>, %arg6: memref<8192xi32, #tpu.memory_space<hbm>>, %arg7: memref<8192xi32, #tpu.memory_space<hbm>>, %arg8: memref<16x256xf32, #tpu.memory_space<vmem>>, %arg9: memref<16xf32, #tpu.memory_space<vmem>>, %arg10: memref<256xf32, #tpu.memory_space<vmem>>, %arg11: memref<256xf32, #tpu.memory_space<vmem>>, %arg12: memref<256xi32, #tpu.memory_space<vmem>>, %arg13: memref<256xi32, #tpu.memory_space<vmem>>) attributes {dimension_semantics = [#tpu.dimension_semantics<core_parallel>, #tpu.dimension_semantics<subcore_parallel>], iteration_bounds = array<i64: 2, 16>, scalar_prefetch = 0 : i64, scratch_operands = 6 : i64, tpu.core_type = #tpu.core_type<sc_vector_subcore>, window_params = [{transform_indices = #map}, {transform_indices = #map1}, {transform_indices = #map1}, {transform_indices = #map1}, {transform_indices = #map1}, {transform_indices = #map1}]} {
    %mul3A = arith.constant 2 : i32
    %mul3A_0 = arith.muli %arg1, %mul3A : i32
    %add3A = arith.addi %mul3A_0, %arg0 : i32
    "tpu.region"() ({
      %run_scoped3A = tpu.sem_alloc : memref<!tpu.dma_semaphore, #tpu.memory_space<semaphore_mem>>
      tpu.enqueue_dma source(%arg3 : memref<16xf32, #tpu.memory_space<hbm>>) target(%arg9 : memref<16xf32, #tpu.memory_space<vmem>>) target_semaphore(%run_scoped3A : memref<!tpu.dma_semaphore, #tpu.memory_space<semaphore_mem>>)
      tpu.wait_dma2 semaphore(%run_scoped3A : memref<!tpu.dma_semaphore, #tpu.memory_space<semaphore_mem>>) src(%arg3 : memref<16xf32, #tpu.memory_space<hbm>>) dst(%arg9 : memref<16xf32, #tpu.memory_space<vmem>>)
      tpu.yield
    }) : () -> ()
    %mul3A_1 = arith.constant 256 : i32
    %mul3A_2 = arith.muli %add3A, %mul3A_1 : i32
    "tpu.region"() ({
      %run_scoped3A = tpu.sem_alloc : memref<!tpu.dma_semaphore, #tpu.memory_space<semaphore_mem>>
      %dma_start3A = arith.constant 0 : i32
      %dma_start3A_74 = tpu.memref_slice %arg2[%dma_start3A, %mul3A_2] : memref<16x8192xf32, #tpu.memory_space<hbm>> -> memref<16x256xf32, #tpu.memory_space<hbm>>
      %dma_start3A_75 = arith.constant 0 : i32
      %dma_start3A_76 = tpu.memref_slice %arg2[%dma_start3A_75, %mul3A_2] : memref<16x8192xf32, #tpu.memory_space<hbm>> -> memref<16x256xf32, #tpu.memory_space<hbm>>
      tpu.enqueue_dma source(%dma_start3A_76 : memref<16x256xf32, #tpu.memory_space<hbm>>) target(%arg8 : memref<16x256xf32, #tpu.memory_space<vmem>>) target_semaphore(%run_scoped3A : memref<!tpu.dma_semaphore, #tpu.memory_space<semaphore_mem>>)
      %dma_wait3A = arith.constant 0 : i32
      %dma_wait3A_77 = tpu.memref_slice %arg2[%dma_wait3A, %mul3A_2] : memref<16x8192xf32, #tpu.memory_space<hbm>> -> memref<16x256xf32, #tpu.memory_space<hbm>>
      %dma_wait3A_78 = arith.constant 0 : i32
      %dma_wait3A_79 = tpu.memref_slice %arg2[%dma_wait3A_78, %mul3A_2] : memref<16x8192xf32, #tpu.memory_space<hbm>> -> memref<16x256xf32, #tpu.memory_space<hbm>>
      tpu.wait_dma2 semaphore(%run_scoped3A : memref<!tpu.dma_semaphore, #tpu.memory_space<semaphore_mem>>) src(%dma_wait3A_79 : memref<16x256xf32, #tpu.memory_space<hbm>>) dst(%arg8 : memref<16x256xf32, #tpu.memory_space<vmem>>)
      tpu.yield
    }) : () -> ()
    %get3A = arith.constant 0 : index
    %get3A_3 = tpu.vector_load %arg9[%get3A] {strides = array<i32>} : memref<16xf32, #tpu.memory_space<vmem>>, vector<16xf32>,
    %get3A_4 = vector.shape_cast %get3A_3 : vector<16xf32> to vector<16xf32>
    %broadcast_in_dim3A = arith.constant 0 : i32
    %broadcast_in_dim3A_5 = vector.broadcast %broadcast_in_dim3A : i32 to vector<16x1xi32>
    %gather3A = vector.shape_cast %broadcast_in_dim3A_5 : vector<16x1xi32> to vector<16xi32>
    %gather3A_6 = tpu.dynamic_gather %get3A_4[%gather3A] in [0] : vector<16xf32>, vector<16xi32> -> vector<16xf32>
    %broadcast_in_dim3A_7 = arith.constant 1 : i32
    %broadcast_in_dim3A_8 = vector.broadcast %broadcast_in_dim3A_7 : i32 to vector<16x1xi32>
    %gather3A_9 = vector.shape_cast %broadcast_in_dim3A_8 : vector<16x1xi32> to vector<16xi32>
    %gather3A_10 = tpu.dynamic_gather %get3A_4[%gather3A_9] in [0] : vector<16xf32>, vector<16xi32> -> vector<16xf32>
    %broadcast_in_dim3A_11 = arith.constant 2 : i32
    %broadcast_in_dim3A_12 = vector.broadcast %broadcast_in_dim3A_11 : i32 to vector<16x1xi32>
    %gather3A_13 = vector.shape_cast %broadcast_in_dim3A_12 : vector<16x1xi32> to vector<16xi32>
    %gather3A_14 = tpu.dynamic_gather %get3A_4[%gather3A_13] in [0] : vector<16xf32>, vector<16xi32> -> vector<16xf32>
    %broadcast_in_dim3A_15 = arith.constant 3 : i32
    %broadcast_in_dim3A_16 = vector.broadcast %broadcast_in_dim3A_15 : i32 to vector<16x1xi32>
    %gather3A_17 = vector.shape_cast %broadcast_in_dim3A_16 : vector<16x1xi32> to vector<16xi32>
    %gather3A_18 = tpu.dynamic_gather %get3A_4[%gather3A_17] in [0] : vector<16xf32>, vector<16xi32> -> vector<16xf32>
    %broadcast_in_dim3A_19 = arith.constant 4 : i32
    %broadcast_in_dim3A_20 = vector.broadcast %broadcast_in_dim3A_19 : i32 to vector<16x1xi32>
    %gather3A_21 = vector.shape_cast %broadcast_in_dim3A_20 : vector<16x1xi32> to vector<16xi32>
    %gather3A_22 = tpu.dynamic_gather %get3A_4[%gather3A_21] in [0] : vector<16xf32>, vector<16xi32> -> vector<16xf32>
    %broadcast_in_dim3A_23 = arith.constant 5 : i32
    %broadcast_in_dim3A_24 = vector.broadcast %broadcast_in_dim3A_23 : i32 to vector<16x1xi32>
    %gather3A_25 = vector.shape_cast %broadcast_in_dim3A_24 : vector<16x1xi32> to vector<16xi32>
    %gather3A_26 = tpu.dynamic_gather %get3A_4[%gather3A_25] in [0] : vector<16xf32>, vector<16xi32> -> vector<16xf32>
    %broadcast_in_dim3A_27 = arith.constant 6 : i32
    %broadcast_in_dim3A_28 = vector.broadcast %broadcast_in_dim3A_27 : i32 to vector<16x1xi32>
    %gather3A_29 = vector.shape_cast %broadcast_in_dim3A_28 : vector<16x1xi32> to vector<16xi32>
    %gather3A_30 = tpu.dynamic_gather %get3A_4[%gather3A_29] in [0] : vector<16xf32>, vector<16xi32> -> vector<16xf32>
    %broadcast_in_dim3A_31 = arith.constant 7 : i32
    %broadcast_in_dim3A_32 = vector.broadcast %broadcast_in_dim3A_31 : i32 to vector<16x1xi32>
    %gather3A_33 = vector.shape_cast %broadcast_in_dim3A_32 : vector<16x1xi32> to vector<16xi32>
    %gather3A_34 = tpu.dynamic_gather %get3A_4[%gather3A_33] in [0] : vector<16xf32>, vector<16xi32> -> vector<16xf32>
    %broadcast_in_dim3A_35 = arith.constant 8 : i32
    %broadcast_in_dim3A_36 = vector.broadcast %broadcast_in_dim3A_35 : i32 to vector<16x1xi32>
    %gather3A_37 = vector.shape_cast %broadcast_in_dim3A_36 : vector<16x1xi32> to vector<16xi32>
    %gather3A_38 = tpu.dynamic_gather %get3A_4[%gather3A_37] in [0] : vector<16xf32>, vector<16xi32> -> vector<16xf32>
    %broadcast_in_dim3A_39 = arith.constant 9 : i32
    %broadcast_in_dim3A_40 = vector.broadcast %broadcast_in_dim3A_39 : i32 to vector<16x1xi32>
    %gather3A_41 = vector.shape_cast %broadcast_in_dim3A_40 : vector<16x1xi32> to vector<16xi32>
    %gather3A_42 = tpu.dynamic_gather %get3A_4[%gather3A_41] in [0] : vector<16xf32>, vector<16xi32> -> vector<16xf32>
    %broadcast_in_dim3A_43 = arith.constant 10 : i32
    %broadcast_in_dim3A_44 = vector.broadcast %broadcast_in_dim3A_43 : i32 to vector<16x1xi32>
    %gather3A_45 = vector.shape_cast %broadcast_in_dim3A_44 : vector<16x1xi32> to vector<16xi32>
    %gather3A_46 = tpu.dynamic_gather %get3A_4[%gather3A_45] in [0] : vector<16xf32>, vector<16xi32> -> vector<16xf32>
    %broadcast_in_dim3A_47 = arith.constant 11 : i32
    %broadcast_in_dim3A_48 = vector.broadcast %broadcast_in_dim3A_47 : i32 to vector<16x1xi32>
    %gather3A_49 = vector.shape_cast %broadcast_in_dim3A_48 : vector<16x1xi32> to vector<16xi32>
    %gather3A_50 = tpu.dynamic_gather %get3A_4[%gather3A_49] in [0] : vector<16xf32>, vector<16xi32> -> vector<16xf32>
    %broadcast_in_dim3A_51 = arith.constant 12 : i32
    %broadcast_in_dim3A_52 = vector.broadcast %broadcast_in_dim3A_51 : i32 to vector<16x1xi32>
    %gather3A_53 = vector.shape_cast %broadcast_in_dim3A_52 : vector<16x1xi32> to vector<16xi32>
    %gather3A_54 = tpu.dynamic_gather %get3A_4[%gather3A_53] in [0] : vector<16xf32>, vector<16xi32> -> vector<16xf32>
    %broadcast_in_dim3A_55 = arith.constant 13 : i32
    %broadcast_in_dim3A_56 = vector.broadcast %broadcast_in_dim3A_55 : i32 to vector<16x1xi32>
    %gather3A_57 = vector.shape_cast %broadcast_in_dim3A_56 : vector<16x1xi32> to vector<16xi32>
    %gather3A_58 = tpu.dynamic_gather %get3A_4[%gather3A_57] in [0] : vector<16xf32>, vector<16xi32> -> vector<16xf32>
    %broadcast_in_dim3A_59 = arith.constant 14 : i32
    %broadcast_in_dim3A_60 = vector.broadcast %broadcast_in_dim3A_59 : i32 to vector<16x1xi32>
    %gather3A_61 = vector.shape_cast %broadcast_in_dim3A_60 : vector<16x1xi32> to vector<16xi32>
    %gather3A_62 = tpu.dynamic_gather %get3A_4[%gather3A_61] in [0] : vector<16xf32>, vector<16xi32> -> vector<16xf32>
    %broadcast_in_dim3A_63 = arith.constant 15 : i32
    %broadcast_in_dim3A_64 = vector.broadcast %broadcast_in_dim3A_63 : i32 to vector<16x1xi32>
    %gather3A_65 = vector.shape_cast %broadcast_in_dim3A_64 : vector<16x1xi32> to vector<16xi32>
    %gather3A_66 = tpu.dynamic_gather %get3A_4[%gather3A_65] in [0] : vector<16xf32>, vector<16xi32> -> vector<16xf32>
    %scan3A = arith.constant 0 : i32
    %scan3A_67 = arith.constant 0 : i32
    %scan3A_68 = arith.constant 16 : i32
    %scan3A_69 = arith.addi %scan3A_67, %scan3A_68 : i32
    %scan3A_70 = arith.constant 1 : i32
    scf.for %scan3A_74 = %scan3A_67 to %scan3A_69 step %scan3A_70  : i32 {
      %mul3A_75 = arith.constant 16 : i32
      %mul3A_76 = arith.muli %scan3A_74, %mul3A_75 : i32
      %get3A_77 = arith.constant 0 : i32
      %get3A_78 = arith.index_cast %get3A_77 : i32 to index
      %get3A_79 = arith.index_cast %mul3A_76 : i32 to index
      %get3A_80 = tpu.vector_load %arg8[%get3A_78, %get3A_79] {strides = array<i32>} : memref<16x256xf32, #tpu.memory_space<vmem>>, vector<1x16xf32>,
      %get3A_81 = vector.shape_cast %get3A_80 : vector<1x16xf32> to vector<16xf32>
      %add3A_82 = arith.addf %get3A_81, %gather3A_6 : vector<16xf32>
      %broadcast_in_dim3A_83 = arith.constant 0 : i32
      %broadcast_in_dim3A_84 = vector.broadcast %broadcast_in_dim3A_83 : i32 to vector<16xi32>
      %broadcast_in_dim3A_85 = arith.constant 0xFF800000 : f32
      %broadcast_in_dim3A_86 = vector.broadcast %broadcast_in_dim3A_85 : f32 to vector<16xf32>
      %broadcast_in_dim3A_87 = arith.constant 0 : i32
      %broadcast_in_dim3A_88 = vector.broadcast %broadcast_in_dim3A_87 : i32 to vector<16xi32>
      %get3A_89 = arith.constant 1 : i32
      %get3A_90 = arith.index_cast %get3A_89 : i32 to index
      %get3A_91 = arith.index_cast %mul3A_76 : i32 to index
      %get3A_92 = tpu.vector_load %arg8[%get3A_90, %get3A_91] {strides = array<i32>} : memref<16x256xf32, #tpu.memory_space<vmem>>, vector<1x16xf32>,
      %get3A_93 = vector.shape_cast %get3A_92 : vector<1x16xf32> to vector<16xf32>
      %add3A_94 = arith.addf %get3A_93, %gather3A_10 : vector<16xf32>
      %broadcast_in_dim3A_95 = arith.constant 1 : i32
      %broadcast_in_dim3A_96 = vector.broadcast %broadcast_in_dim3A_95 : i32 to vector<16xi32>
      %gt3A = arith.cmpf ogt, %add3A_94, %add3A_82 : vector<16xf32>
      %gt3A_97 = arith.cmpf ogt, %add3A_94, %broadcast_in_dim3A_86 : vector<16xf32>
      %select_n3A = arith.select %gt3A_97, %add3A_94, %broadcast_in_dim3A_86 : vector<16xi1>, vector<16xf32>
      %select_n3A_98 = arith.select %gt3A, %add3A_82, %select_n3A : vector<16xi1>, vector<16xf32>
      %select_n3A_99 = arith.select %gt3A_97, %broadcast_in_dim3A_96, %broadcast_in_dim3A_88 : vector<16xi1>, vector<16xi32>
      %select_n3A_100 = arith.select %gt3A, %broadcast_in_dim3A_84, %select_n3A_99 : vector<16xi1>, vector<16xi32>
      %select_n3A_101 = arith.select %gt3A, %add3A_94, %add3A_82 : vector<16xi1>, vector<16xf32>
      %select_n3A_102 = arith.select %gt3A, %broadcast_in_dim3A_96, %broadcast_in_dim3A_84 : vector<16xi1>, vector<16xi32>
      %get3A_103 = arith.constant 2 : i32
      %get3A_104 = arith.index_cast %get3A_103 : i32 to index
      %get3A_105 = arith.index_cast %mul3A_76 : i32 to index
      %get3A_106 = tpu.vector_load %arg8[%get3A_104, %get3A_105] {strides = array<i32>} : memref<16x256xf32, #tpu.memory_space<vmem>>, vector<1x16xf32>,
      %get3A_107 = vector.shape_cast %get3A_106 : vector<1x16xf32> to vector<16xf32>
      %add3A_108 = arith.addf %get3A_107, %gather3A_14 : vector<16xf32>
      %broadcast_in_dim3A_109 = arith.constant 2 : i32
      %broadcast_in_dim3A_110 = vector.broadcast %broadcast_in_dim3A_109 : i32 to vector<16xi32>
      %gt3A_111 = arith.cmpf ogt, %add3A_108, %select_n3A_101 : vector<16xf32>
      %gt3A_112 = arith.cmpf ogt, %add3A_108, %select_n3A_98 : vector<16xf32>
      %select_n3A_113 = arith.select %gt3A_112, %add3A_108, %select_n3A_98 : vector<16xi1>, vector<16xf32>
      %select_n3A_114 = arith.select %gt3A_111, %select_n3A_101, %select_n3A_113 : vector<16xi1>, vector<16xf32>
      %select_n3A_115 = arith.select %gt3A_112, %broadcast_in_dim3A_110, %select_n3A_100 : vector<16xi1>, vector<16xi32>
      %select_n3A_116 = arith.select %gt3A_111, %select_n3A_102, %select_n3A_115 : vector<16xi1>, vector<16xi32>
      %select_n3A_117 = arith.select %gt3A_111, %add3A_108, %select_n3A_101 : vector<16xi1>, vector<16xf32>
      %select_n3A_118 = arith.select %gt3A_111, %broadcast_in_dim3A_110, %select_n3A_102 : vector<16xi1>, vector<16xi32>
      %get3A_119 = arith.constant 3 : i32
      %get3A_120 = arith.index_cast %get3A_119 : i32 to index
      %get3A_121 = arith.index_cast %mul3A_76 : i32 to index
      %get3A_122 = tpu.vector_load %arg8[%get3A_120, %get3A_121] {strides = array<i32>} : memref<16x256xf32, #tpu.memory_space<vmem>>, vector<1x16xf32>,
      %get3A_123 = vector.shape_cast %get3A_122 : vector<1x16xf32> to vector<16xf32>
      %add3A_124 = arith.addf %get3A_123, %gather3A_18 : vector<16xf32>
      %broadcast_in_dim3A_125 = arith.constant 3 : i32
      %broadcast_in_dim3A_126 = vector.broadcast %broadcast_in_dim3A_125 : i32 to vector<16xi32>
      %gt3A_127 = arith.cmpf ogt, %add3A_124, %select_n3A_117 : vector<16xf32>
      %gt3A_128 = arith.cmpf ogt, %add3A_124, %select_n3A_114 : vector<16xf32>
      %select_n3A_129 = arith.select %gt3A_128, %add3A_124, %select_n3A_114 : vector<16xi1>, vector<16xf32>
      %select_n3A_130 = arith.select %gt3A_127, %select_n3A_117, %select_n3A_129 : vector<16xi1>, vector<16xf32>
      %select_n3A_131 = arith.select %gt3A_128, %broadcast_in_dim3A_126, %select_n3A_116 : vector<16xi1>, vector<16xi32>
      %select_n3A_132 = arith.select %gt3A_127, %select_n3A_118, %select_n3A_131 : vector<16xi1>, vector<16xi32>
      %select_n3A_133 = arith.select %gt3A_127, %add3A_124, %select_n3A_117 : vector<16xi1>, vector<16xf32>
      %select_n3A_134 = arith.select %gt3A_127, %broadcast_in_dim3A_126, %select_n3A_118 : vector<16xi1>, vector<16xi32>
      %get3A_135 = arith.constant 4 : i32
      %get3A_136 = arith.index_cast %get3A_135 : i32 to index
      %get3A_137 = arith.index_cast %mul3A_76 : i32 to index
      %get3A_138 = tpu.vector_load %arg8[%get3A_136, %get3A_137] {strides = array<i32>} : memref<16x256xf32, #tpu.memory_space<vmem>>, vector<1x16xf32>,
      %get3A_139 = vector.shape_cast %get3A_138 : vector<1x16xf32> to vector<16xf32>
      %add3A_140 = arith.addf %get3A_139, %gather3A_22 : vector<16xf32>
      %broadcast_in_dim3A_141 = arith.constant 4 : i32
      %broadcast_in_dim3A_142 = vector.broadcast %broadcast_in_dim3A_141 : i32 to vector<16xi32>
      %gt3A_143 = arith.cmpf ogt, %add3A_140, %select_n3A_133 : vector<16xf32>
      %gt3A_144 = arith.cmpf ogt, %add3A_140, %select_n3A_130 : vector<16xf32>
      %select_n3A_145 = arith.select %gt3A_144, %add3A_140, %select_n3A_130 : vector<16xi1>, vector<16xf32>
      %select_n3A_146 = arith.select %gt3A_143, %select_n3A_133, %select_n3A_145 : vector<16xi1>, vector<16xf32>
      %select_n3A_147 = arith.select %gt3A_144, %broadcast_in_dim3A_142, %select_n3A_132 : vector<16xi1>, vector<16xi32>
      %select_n3A_148 = arith.select %gt3A_143, %select_n3A_134, %select_n3A_147 : vector<16xi1>, vector<16xi32>
      %select_n3A_149 = arith.select %gt3A_143, %add3A_140, %select_n3A_133 : vector<16xi1>, vector<16xf32>
      %select_n3A_150 = arith.select %gt3A_143, %broadcast_in_dim3A_142, %select_n3A_134 : vector<16xi1>, vector<16xi32>
      %get3A_151 = arith.constant 5 : i32
      %get3A_152 = arith.index_cast %get3A_151 : i32 to index
      %get3A_153 = arith.index_cast %mul3A_76 : i32 to index
      %get3A_154 = tpu.vector_load %arg8[%get3A_152, %get3A_153] {strides = array<i32>} : memref<16x256xf32, #tpu.memory_space<vmem>>, vector<1x16xf32>,
      %get3A_155 = vector.shape_cast %get3A_154 : vector<1x16xf32> to vector<16xf32>
      %add3A_156 = arith.addf %get3A_155, %gather3A_26 : vector<16xf32>
      %broadcast_in_dim3A_157 = arith.constant 5 : i32
      %broadcast_in_dim3A_158 = vector.broadcast %broadcast_in_dim3A_157 : i32 to vector<16xi32>
      %gt3A_159 = arith.cmpf ogt, %add3A_156, %select_n3A_149 : vector<16xf32>
      %gt3A_160 = arith.cmpf ogt, %add3A_156, %select_n3A_146 : vector<16xf32>
      %select_n3A_161 = arith.select %gt3A_160, %add3A_156, %select_n3A_146 : vector<16xi1>, vector<16xf32>
      %select_n3A_162 = arith.select %gt3A_159, %select_n3A_149, %select_n3A_161 : vector<16xi1>, vector<16xf32>
      %select_n3A_163 = arith.select %gt3A_160, %broadcast_in_dim3A_158, %select_n3A_148 : vector<16xi1>, vector<16xi32>
      %select_n3A_164 = arith.select %gt3A_159, %select_n3A_150, %select_n3A_163 : vector<16xi1>, vector<16xi32>
      %select_n3A_165 = arith.select %gt3A_159, %add3A_156, %select_n3A_149 : vector<16xi1>, vector<16xf32>
      %select_n3A_166 = arith.select %gt3A_159, %broadcast_in_dim3A_158, %select_n3A_150 : vector<16xi1>, vector<16xi32>
      %get3A_167 = arith.constant 6 : i32
      %get3A_168 = arith.index_cast %get3A_167 : i32 to index
      %get3A_169 = arith.index_cast %mul3A_76 : i32 to index
      %get3A_170 = tpu.vector_load %arg8[%get3A_168, %get3A_169] {strides = array<i32>} : memref<16x256xf32, #tpu.memory_space<vmem>>, vector<1x16xf32>,
      %get3A_171 = vector.shape_cast %get3A_170 : vector<1x16xf32> to vector<16xf32>
      %add3A_172 = arith.addf %get3A_171, %gather3A_30 : vector<16xf32>
      %broadcast_in_dim3A_173 = arith.constant 6 : i32
      %broadcast_in_dim3A_174 = vector.broadcast %broadcast_in_dim3A_173 : i32 to vector<16xi32>
      %gt3A_175 = arith.cmpf ogt, %add3A_172, %select_n3A_165 : vector<16xf32>
      %gt3A_176 = arith.cmpf ogt, %add3A_172, %select_n3A_162 : vector<16xf32>
      %select_n3A_177 = arith.select %gt3A_176, %add3A_172, %select_n3A_162 : vector<16xi1>, vector<16xf32>
      %select_n3A_178 = arith.select %gt3A_175, %select_n3A_165, %select_n3A_177 : vector<16xi1>, vector<16xf32>
      %select_n3A_179 = arith.select %gt3A_176, %broadcast_in_dim3A_174, %select_n3A_164 : vector<16xi1>, vector<16xi32>
      %select_n3A_180 = arith.select %gt3A_175, %select_n3A_166, %select_n3A_179 : vector<16xi1>, vector<16xi32>
      %select_n3A_181 = arith.select %gt3A_175, %add3A_172, %select_n3A_165 : vector<16xi1>, vector<16xf32>
      %select_n3A_182 = arith.select %gt3A_175, %broadcast_in_dim3A_174, %select_n3A_166 : vector<16xi1>, vector<16xi32>
      %get3A_183 = arith.constant 7 : i32
      %get3A_184 = arith.index_cast %get3A_183 : i32 to index
      %get3A_185 = arith.index_cast %mul3A_76 : i32 to index
      %get3A_186 = tpu.vector_load %arg8[%get3A_184, %get3A_185] {strides = array<i32>} : memref<16x256xf32, #tpu.memory_space<vmem>>, vector<1x16xf32>,
      %get3A_187 = vector.shape_cast %get3A_186 : vector<1x16xf32> to vector<16xf32>
      %add3A_188 = arith.addf %get3A_187, %gather3A_34 : vector<16xf32>
      %broadcast_in_dim3A_189 = arith.constant 7 : i32
      %broadcast_in_dim3A_190 = vector.broadcast %broadcast_in_dim3A_189 : i32 to vector<16xi32>
      %gt3A_191 = arith.cmpf ogt, %add3A_188, %select_n3A_181 : vector<16xf32>
      %gt3A_192 = arith.cmpf ogt, %add3A_188, %select_n3A_178 : vector<16xf32>
      %select_n3A_193 = arith.select %gt3A_192, %add3A_188, %select_n3A_178 : vector<16xi1>, vector<16xf32>
      %select_n3A_194 = arith.select %gt3A_191, %select_n3A_181, %select_n3A_193 : vector<16xi1>, vector<16xf32>
      %select_n3A_195 = arith.select %gt3A_192, %broadcast_in_dim3A_190, %select_n3A_180 : vector<16xi1>, vector<16xi32>
      %select_n3A_196 = arith.select %gt3A_191, %select_n3A_182, %select_n3A_195 : vector<16xi1>, vector<16xi32>
      %select_n3A_197 = arith.select %gt3A_191, %add3A_188, %select_n3A_181 : vector<16xi1>, vector<16xf32>
      %select_n3A_198 = arith.select %gt3A_191, %broadcast_in_dim3A_190, %select_n3A_182 : vector<16xi1>, vector<16xi32>
      %get3A_199 = arith.constant 8 : i32
      %get3A_200 = arith.index_cast %get3A_199 : i32 to index
      %get3A_201 = arith.index_cast %mul3A_76 : i32 to index
      %get3A_202 = tpu.vector_load %arg8[%get3A_200, %get3A_201] {strides = array<i32>} : memref<16x256xf32, #tpu.memory_space<vmem>>, vector<1x16xf32>,
      %get3A_203 = vector.shape_cast %get3A_202 : vector<1x16xf32> to vector<16xf32>
      %add3A_204 = arith.addf %get3A_203, %gather3A_38 : vector<16xf32>
      %broadcast_in_dim3A_205 = arith.constant 8 : i32
      %broadcast_in_dim3A_206 = vector.broadcast %broadcast_in_dim3A_205 : i32 to vector<16xi32>
      %gt3A_207 = arith.cmpf ogt, %add3A_204, %select_n3A_197 : vector<16xf32>
      %gt3A_208 = arith.cmpf ogt, %add3A_204, %select_n3A_194 : vector<16xf32>
      %select_n3A_209 = arith.select %gt3A_208, %add3A_204, %select_n3A_194 : vector<16xi1>, vector<16xf32>
      %select_n3A_210 = arith.select %gt3A_207, %select_n3A_197, %select_n3A_209 : vector<16xi1>, vector<16xf32>
      %select_n3A_211 = arith.select %gt3A_208, %broadcast_in_dim3A_206, %select_n3A_196 : vector<16xi1>, vector<16xi32>
      %select_n3A_212 = arith.select %gt3A_207, %select_n3A_198, %select_n3A_211 : vector<16xi1>, vector<16xi32>
      %select_n3A_213 = arith.select %gt3A_207, %add3A_204, %select_n3A_197 : vector<16xi1>, vector<16xf32>
      %select_n3A_214 = arith.select %gt3A_207, %broadcast_in_dim3A_206, %select_n3A_198 : vector<16xi1>, vector<16xi32>
      %get3A_215 = arith.constant 9 : i32
      %get3A_216 = arith.index_cast %get3A_215 : i32 to index
      %get3A_217 = arith.index_cast %mul3A_76 : i32 to index
      %get3A_218 = tpu.vector_load %arg8[%get3A_216, %get3A_217] {strides = array<i32>} : memref<16x256xf32, #tpu.memory_space<vmem>>, vector<1x16xf32>,
      %get3A_219 = vector.shape_cast %get3A_218 : vector<1x16xf32> to vector<16xf32>
      %add3A_220 = arith.addf %get3A_219, %gather3A_42 : vector<16xf32>
      %broadcast_in_dim3A_221 = arith.constant 9 : i32
      %broadcast_in_dim3A_222 = vector.broadcast %broadcast_in_dim3A_221 : i32 to vector<16xi32>
      %gt3A_223 = arith.cmpf ogt, %add3A_220, %select_n3A_213 : vector<16xf32>
      %gt3A_224 = arith.cmpf ogt, %add3A_220, %select_n3A_210 : vector<16xf32>
      %select_n3A_225 = arith.select %gt3A_224, %add3A_220, %select_n3A_210 : vector<16xi1>, vector<16xf32>
      %select_n3A_226 = arith.select %gt3A_223, %select_n3A_213, %select_n3A_225 : vector<16xi1>, vector<16xf32>
      %select_n3A_227 = arith.select %gt3A_224, %broadcast_in_dim3A_222, %select_n3A_212 : vector<16xi1>, vector<16xi32>
      %select_n3A_228 = arith.select %gt3A_223, %select_n3A_214, %select_n3A_227 : vector<16xi1>, vector<16xi32>
      %select_n3A_229 = arith.select %gt3A_223, %add3A_220, %select_n3A_213 : vector<16xi1>, vector<16xf32>
      %select_n3A_230 = arith.select %gt3A_223, %broadcast_in_dim3A_222, %select_n3A_214 : vector<16xi1>, vector<16xi32>
      %get3A_231 = arith.constant 10 : i32
      %get3A_232 = arith.index_cast %get3A_231 : i32 to index
      %get3A_233 = arith.index_cast %mul3A_76 : i32 to index
      %get3A_234 = tpu.vector_load %arg8[%get3A_232, %get3A_233] {strides = array<i32>} : memref<16x256xf32, #tpu.memory_space<vmem>>, vector<1x16xf32>,
      %get3A_235 = vector.shape_cast %get3A_234 : vector<1x16xf32> to vector<16xf32>
      %add3A_236 = arith.addf %get3A_235, %gather3A_46 : vector<16xf32>
      %broadcast_in_dim3A_237 = arith.constant 10 : i32
      %broadcast_in_dim3A_238 = vector.broadcast %broadcast_in_dim3A_237 : i32 to vector<16xi32>
      %gt3A_239 = arith.cmpf ogt, %add3A_236, %select_n3A_229 : vector<16xf32>
      %gt3A_240 = arith.cmpf ogt, %add3A_236, %select_n3A_226 : vector<16xf32>
      %select_n3A_241 = arith.select %gt3A_240, %add3A_236, %select_n3A_226 : vector<16xi1>, vector<16xf32>
      %select_n3A_242 = arith.select %gt3A_239, %select_n3A_229, %select_n3A_241 : vector<16xi1>, vector<16xf32>
      %select_n3A_243 = arith.select %gt3A_240, %broadcast_in_dim3A_238, %select_n3A_228 : vector<16xi1>, vector<16xi32>
      %select_n3A_244 = arith.select %gt3A_239, %select_n3A_230, %select_n3A_243 : vector<16xi1>, vector<16xi32>
      %select_n3A_245 = arith.select %gt3A_239, %add3A_236, %select_n3A_229 : vector<16xi1>, vector<16xf32>
      %select_n3A_246 = arith.select %gt3A_239, %broadcast_in_dim3A_238, %select_n3A_230 : vector<16xi1>, vector<16xi32>
      %get3A_247 = arith.constant 11 : i32
      %get3A_248 = arith.index_cast %get3A_247 : i32 to index
      %get3A_249 = arith.index_cast %mul3A_76 : i32 to index
      %get3A_250 = tpu.vector_load %arg8[%get3A_248, %get3A_249] {strides = array<i32>} : memref<16x256xf32, #tpu.memory_space<vmem>>, vector<1x16xf32>,
      %get3A_251 = vector.shape_cast %get3A_250 : vector<1x16xf32> to vector<16xf32>
      %add3A_252 = arith.addf %get3A_251, %gather3A_50 : vector<16xf32>
      %broadcast_in_dim3A_253 = arith.constant 11 : i32
      %broadcast_in_dim3A_254 = vector.broadcast %broadcast_in_dim3A_253 : i32 to vector<16xi32>
      %gt3A_255 = arith.cmpf ogt, %add3A_252, %select_n3A_245 : vector<16xf32>
      %gt3A_256 = arith.cmpf ogt, %add3A_252, %select_n3A_242 : vector<16xf32>
      %select_n3A_257 = arith.select %gt3A_256, %add3A_252, %select_n3A_242 : vector<16xi1>, vector<16xf32>
      %select_n3A_258 = arith.select %gt3A_255, %select_n3A_245, %select_n3A_257 : vector<16xi1>, vector<16xf32>
      %select_n3A_259 = arith.select %gt3A_256, %broadcast_in_dim3A_254, %select_n3A_244 : vector<16xi1>, vector<16xi32>
      %select_n3A_260 = arith.select %gt3A_255, %select_n3A_246, %select_n3A_259 : vector<16xi1>, vector<16xi32>
      %select_n3A_261 = arith.select %gt3A_255, %add3A_252, %select_n3A_245 : vector<16xi1>, vector<16xf32>
      %select_n3A_262 = arith.select %gt3A_255, %broadcast_in_dim3A_254, %select_n3A_246 : vector<16xi1>, vector<16xi32>
      %get3A_263 = arith.constant 12 : i32
      %get3A_264 = arith.index_cast %get3A_263 : i32 to index
      %get3A_265 = arith.index_cast %mul3A_76 : i32 to index
      %get3A_266 = tpu.vector_load %arg8[%get3A_264, %get3A_265] {strides = array<i32>} : memref<16x256xf32, #tpu.memory_space<vmem>>, vector<1x16xf32>,
      %get3A_267 = vector.shape_cast %get3A_266 : vector<1x16xf32> to vector<16xf32>
      %add3A_268 = arith.addf %get3A_267, %gather3A_54 : vector<16xf32>
      %broadcast_in_dim3A_269 = arith.constant 12 : i32
      %broadcast_in_dim3A_270 = vector.broadcast %broadcast_in_dim3A_269 : i32 to vector<16xi32>
      %gt3A_271 = arith.cmpf ogt, %add3A_268, %select_n3A_261 : vector<16xf32>
      %gt3A_272 = arith.cmpf ogt, %add3A_268, %select_n3A_258 : vector<16xf32>
      %select_n3A_273 = arith.select %gt3A_272, %add3A_268, %select_n3A_258 : vector<16xi1>, vector<16xf32>
      %select_n3A_274 = arith.select %gt3A_271, %select_n3A_261, %select_n3A_273 : vector<16xi1>, vector<16xf32>
      %select_n3A_275 = arith.select %gt3A_272, %broadcast_in_dim3A_270, %select_n3A_260 : vector<16xi1>, vector<16xi32>
      %select_n3A_276 = arith.select %gt3A_271, %select_n3A_262, %select_n3A_275 : vector<16xi1>, vector<16xi32>
      %select_n3A_277 = arith.select %gt3A_271, %add3A_268, %select_n3A_261 : vector<16xi1>, vector<16xf32>
      %select_n3A_278 = arith.select %gt3A_271, %broadcast_in_dim3A_270, %select_n3A_262 : vector<16xi1>, vector<16xi32>
      %get3A_279 = arith.constant 13 : i32
      %get3A_280 = arith.index_cast %get3A_279 : i32 to index
      %get3A_281 = arith.index_cast %mul3A_76 : i32 to index
      %get3A_282 = tpu.vector_load %arg8[%get3A_280, %get3A_281] {strides = array<i32>} : memref<16x256xf32, #tpu.memory_space<vmem>>, vector<1x16xf32>,
      %get3A_283 = vector.shape_cast %get3A_282 : vector<1x16xf32> to vector<16xf32>
      %add3A_284 = arith.addf %get3A_283, %gather3A_58 : vector<16xf32>
      %broadcast_in_dim3A_285 = arith.constant 13 : i32
      %broadcast_in_dim3A_286 = vector.broadcast %broadcast_in_dim3A_285 : i32 to vector<16xi32>
      %gt3A_287 = arith.cmpf ogt, %add3A_284, %select_n3A_277 : vector<16xf32>
      %gt3A_288 = arith.cmpf ogt, %add3A_284, %select_n3A_274 : vector<16xf32>
      %select_n3A_289 = arith.select %gt3A_288, %add3A_284, %select_n3A_274 : vector<16xi1>, vector<16xf32>
      %select_n3A_290 = arith.select %gt3A_287, %select_n3A_277, %select_n3A_289 : vector<16xi1>, vector<16xf32>
      %select_n3A_291 = arith.select %gt3A_288, %broadcast_in_dim3A_286, %select_n3A_276 : vector<16xi1>, vector<16xi32>
      %select_n3A_292 = arith.select %gt3A_287, %select_n3A_278, %select_n3A_291 : vector<16xi1>, vector<16xi32>
      %select_n3A_293 = arith.select %gt3A_287, %add3A_284, %select_n3A_277 : vector<16xi1>, vector<16xf32>
      %select_n3A_294 = arith.select %gt3A_287, %broadcast_in_dim3A_286, %select_n3A_278 : vector<16xi1>, vector<16xi32>
      %get3A_295 = arith.constant 14 : i32
      %get3A_296 = arith.index_cast %get3A_295 : i32 to index
      %get3A_297 = arith.index_cast %mul3A_76 : i32 to index
      %get3A_298 = tpu.vector_load %arg8[%get3A_296, %get3A_297] {strides = array<i32>} : memref<16x256xf32, #tpu.memory_space<vmem>>, vector<1x16xf32>,
      %get3A_299 = vector.shape_cast %get3A_298 : vector<1x16xf32> to vector<16xf32>
      %add3A_300 = arith.addf %get3A_299, %gather3A_62 : vector<16xf32>
      %broadcast_in_dim3A_301 = arith.constant 14 : i32
      %broadcast_in_dim3A_302 = vector.broadcast %broadcast_in_dim3A_301 : i32 to vector<16xi32>
      %gt3A_303 = arith.cmpf ogt, %add3A_300, %select_n3A_293 : vector<16xf32>
      %gt3A_304 = arith.cmpf ogt, %add3A_300, %select_n3A_290 : vector<16xf32>
      %select_n3A_305 = arith.select %gt3A_304, %add3A_300, %select_n3A_290 : vector<16xi1>, vector<16xf32>
      %select_n3A_306 = arith.select %gt3A_303, %select_n3A_293, %select_n3A_305 : vector<16xi1>, vector<16xf32>
      %select_n3A_307 = arith.select %gt3A_304, %broadcast_in_dim3A_302, %select_n3A_292 : vector<16xi1>, vector<16xi32>
      %select_n3A_308 = arith.select %gt3A_303, %select_n3A_294, %select_n3A_307 : vector<16xi1>, vector<16xi32>
      %select_n3A_309 = arith.select %gt3A_303, %add3A_300, %select_n3A_293 : vector<16xi1>, vector<16xf32>
      %select_n3A_310 = arith.select %gt3A_303, %broadcast_in_dim3A_302, %select_n3A_294 : vector<16xi1>, vector<16xi32>
      %get3A_311 = arith.constant 15 : i32
      %get3A_312 = arith.index_cast %get3A_311 : i32 to index
      %get3A_313 = arith.index_cast %mul3A_76 : i32 to index
      %get3A_314 = tpu.vector_load %arg8[%get3A_312, %get3A_313] {strides = array<i32>} : memref<16x256xf32, #tpu.memory_space<vmem>>, vector<1x16xf32>,
      %get3A_315 = vector.shape_cast %get3A_314 : vector<1x16xf32> to vector<16xf32>
      %add3A_316 = arith.addf %get3A_315, %gather3A_66 : vector<16xf32>
      %broadcast_in_dim3A_317 = arith.constant 15 : i32
      %broadcast_in_dim3A_318 = vector.broadcast %broadcast_in_dim3A_317 : i32 to vector<16xi32>
      %gt3A_319 = arith.cmpf ogt, %add3A_316, %select_n3A_309 : vector<16xf32>
      %gt3A_320 = arith.cmpf ogt, %add3A_316, %select_n3A_306 : vector<16xf32>
      %select_n3A_321 = arith.select %gt3A_320, %add3A_316, %select_n3A_306 : vector<16xi1>, vector<16xf32>
      %select_n3A_322 = arith.select %gt3A_319, %select_n3A_309, %select_n3A_321 : vector<16xi1>, vector<16xf32>
      %select_n3A_323 = arith.select %gt3A_320, %broadcast_in_dim3A_318, %select_n3A_308 : vector<16xi1>, vector<16xi32>
      %select_n3A_324 = arith.select %gt3A_319, %select_n3A_310, %select_n3A_323 : vector<16xi1>, vector<16xi32>
      %select_n3A_325 = arith.select %gt3A_319, %add3A_316, %select_n3A_309 : vector<16xi1>, vector<16xf32>
      %select_n3A_326 = arith.select %gt3A_319, %broadcast_in_dim3A_318, %select_n3A_310 : vector<16xi1>, vector<16xi32>
      %sub3A = arith.subf %select_n3A_322, %select_n3A_325 : vector<16xf32>
      %exp3A = math.exp %sub3A : vector<16xf32>
      %add3A_327 = arith.constant 1.000000e+00 : f32
      %add3A_328 = vector.broadcast %add3A_327 : f32 to vector<16xf32>
      %add3A_329 = arith.addf %exp3A, %add3A_328 : vector<16xf32>
      %div3A = arith.constant 1.000000e+00 : f32
      %div3A_330 = vector.broadcast %div3A : f32 to vector<16xf32>
      %div3A_331 = arith.divf %div3A_330, %add3A_329 : vector<16xf32>
      %swap3A = arith.index_cast %mul3A_76 : i32 to index
      %swap3A_332 = tpu.vector_load %arg10[%swap3A] {strides = array<i32>} : memref<256xf32, #tpu.memory_space<vmem>>, vector<16xf32>,
      %swap3A_333 = vector.shape_cast %swap3A_332 : vector<16xf32> to vector<16xf32>
      %swap3A_334 = vector.shape_cast %div3A_331 : vector<16xf32> to vector<16xf32>
      tpu.vector_store %arg10[%swap3A], %swap3A_334 {strides = array<i32>} : memref<256xf32, #tpu.memory_space<vmem>>, vector<16xf32>,
      %div3A_335 = arith.divf %exp3A, %add3A_329 : vector<16xf32>
      %swap3A_336 = arith.index_cast %mul3A_76 : i32 to index
      %swap3A_337 = tpu.vector_load %arg11[%swap3A_336] {strides = array<i32>} : memref<256xf32, #tpu.memory_space<vmem>>, vector<16xf32>,
      %swap3A_338 = vector.shape_cast %swap3A_337 : vector<16xf32> to vector<16xf32>
      %swap3A_339 = vector.shape_cast %div3A_335 : vector<16xf32> to vector<16xf32>
      tpu.vector_store %arg11[%swap3A_336], %swap3A_339 {strides = array<i32>} : memref<256xf32, #tpu.memory_space<vmem>>, vector<16xf32>,
      %swap3A_340 = arith.index_cast %mul3A_76 : i32 to index
      %swap3A_341 = tpu.vector_load %arg12[%swap3A_340] {strides = array<i32>} : memref<256xi32, #tpu.memory_space<vmem>>, vector<16xi32>,
      %swap3A_342 = vector.shape_cast %swap3A_341 : vector<16xi32> to vector<16xi32>
      %swap3A_343 = vector.shape_cast %select_n3A_326 : vector<16xi32> to vector<16xi32>
      tpu.vector_store %arg12[%swap3A_340], %swap3A_343 {strides = array<i32>} : memref<256xi32, #tpu.memory_space<vmem>>, vector<16xi32>,
      %swap3A_344 = arith.index_cast %mul3A_76 : i32 to index
      %swap3A_345 = tpu.vector_load %arg13[%swap3A_344] {strides = array<i32>} : memref<256xi32, #tpu.memory_space<vmem>>, vector<16xi32>,
      %swap3A_346 = vector.shape_cast %swap3A_345 : vector<16xi32> to vector<16xi32>
      %swap3A_347 = vector.shape_cast %select_n3A_324 : vector<16xi32> to vector<16xi32>
      tpu.vector_store %arg13[%swap3A_344], %swap3A_347 {strides = array<i32>} : memref<256xi32, #tpu.memory_space<vmem>>, vector<16xi32>,
    }
    %scan3A_71 = arith.constant 16 : i32
    %mul3A_72 = arith.constant 256 : i32
    %mul3A_73 = arith.muli %add3A, %mul3A_72 : i32
    "tpu.region"() ({
      %run_scoped3A = tpu.sem_alloc : memref<!tpu.dma_semaphore, #tpu.memory_space<semaphore_mem>>
      %dma_start3A = tpu.memref_slice %arg4[%mul3A_73] : memref<8192xf32, #tpu.memory_space<hbm>> -> memref<256xf32, #tpu.memory_space<hbm>>
      %dma_start3A_74 = tpu.memref_slice %arg4[%mul3A_73] : memref<8192xf32, #tpu.memory_space<hbm>> -> memref<256xf32, #tpu.memory_space<hbm>>
      tpu.enqueue_dma source(%arg10 : memref<256xf32, #tpu.memory_space<vmem>>) target(%dma_start3A_74 : memref<256xf32, #tpu.memory_space<hbm>>) target_semaphore(%run_scoped3A : memref<!tpu.dma_semaphore, #tpu.memory_space<semaphore_mem>>)
      %dma_wait3A = tpu.memref_slice %arg4[%mul3A_73] : memref<8192xf32, #tpu.memory_space<hbm>> -> memref<256xf32, #tpu.memory_space<hbm>>
      %dma_wait3A_75 = tpu.memref_slice %arg4[%mul3A_73] : memref<8192xf32, #tpu.memory_space<hbm>> -> memref<256xf32, #tpu.memory_space<hbm>>
      tpu.wait_dma2 semaphore(%run_scoped3A : memref<!tpu.dma_semaphore, #tpu.memory_space<semaphore_mem>>) src(%arg10 : memref<256xf32, #tpu.memory_space<vmem>>) dst(%dma_wait3A_75 : memref<256xf32, #tpu.memory_space<hbm>>)
      tpu.yield
    }) : () -> ()
    "tpu.region"() ({
      %run_scoped3A = tpu.sem_alloc : memref<!tpu.dma_semaphore, #tpu.memory_space<semaphore_mem>>
      %dma_start3A = tpu.memref_slice %arg5[%mul3A_73] : memref<8192xf32, #tpu.memory_space<hbm>> -> memref<256xf32, #tpu.memory_space<hbm>>
      %dma_start3A_74 = tpu.memref_slice %arg5[%mul3A_73] : memref<8192xf32, #tpu.memory_space<hbm>> -> memref<256xf32, #tpu.memory_space<hbm>>
      tpu.enqueue_dma source(%arg11 : memref<256xf32, #tpu.memory_space<vmem>>) target(%dma_start3A_74 : memref<256xf32, #tpu.memory_space<hbm>>) target_semaphore(%run_scoped3A : memref<!tpu.dma_semaphore, #tpu.memory_space<semaphore_mem>>)
      %dma_wait3A = tpu.memref_slice %arg5[%mul3A_73] : memref<8192xf32, #tpu.memory_space<hbm>> -> memref<256xf32, #tpu.memory_space<hbm>>
      %dma_wait3A_75 = tpu.memref_slice %arg5[%mul3A_73] : memref<8192xf32, #tpu.memory_space<hbm>> -> memref<256xf32, #tpu.memory_space<hbm>>
      tpu.wait_dma2 semaphore(%run_scoped3A : memref<!tpu.dma_semaphore, #tpu.memory_space<semaphore_mem>>) src(%arg11 : memref<256xf32, #tpu.memory_space<vmem>>) dst(%dma_wait3A_75 : memref<256xf32, #tpu.memory_space<hbm>>)
      tpu.yield
    }) : () -> ()
    "tpu.region"() ({
      %run_scoped3A = tpu.sem_alloc : memref<!tpu.dma_semaphore, #tpu.memory_space<semaphore_mem>>
      %dma_start3A = tpu.memref_slice %arg6[%mul3A_73] : memref<8192xi32, #tpu.memory_space<hbm>> -> memref<256xi32, #tpu.memory_space<hbm>>
      %dma_start3A_74 = tpu.memref_slice %arg6[%mul3A_73] : memref<8192xi32, #tpu.memory_space<hbm>> -> memref<256xi32, #tpu.memory_space<hbm>>
      tpu.enqueue_dma source(%arg12 : memref<256xi32, #tpu.memory_space<vmem>>) target(%dma_start3A_74 : memref<256xi32, #tpu.memory_space<hbm>>) target_semaphore(%run_scoped3A : memref<!tpu.dma_semaphore, #tpu.memory_space<semaphore_mem>>)
      %dma_wait3A = tpu.memref_slice %arg6[%mul3A_73] : memref<8192xi32, #tpu.memory_space<hbm>> -> memref<256xi32, #tpu.memory_space<hbm>>
      %dma_wait3A_75 = tpu.memref_slice %arg6[%mul3A_73] : memref<8192xi32, #tpu.memory_space<hbm>> -> memref<256xi32, #tpu.memory_space<hbm>>
      tpu.wait_dma2 semaphore(%run_scoped3A : memref<!tpu.dma_semaphore, #tpu.memory_space<semaphore_mem>>) src(%arg12 : memref<256xi32, #tpu.memory_space<vmem>>) dst(%dma_wait3A_75 : memref<256xi32, #tpu.memory_space<hbm>>)
      tpu.yield
    }) : () -> ()
    "tpu.region"() ({
      %run_scoped3A = tpu.sem_alloc : memref<!tpu.dma_semaphore, #tpu.memory_space<semaphore_mem>>
      %dma_start3A = tpu.memref_slice %arg7[%mul3A_73] : memref<8192xi32, #tpu.memory_space<hbm>> -> memref<256xi32, #tpu.memory_space<hbm>>
      %dma_start3A_74 = tpu.memref_slice %arg7[%mul3A_73] : memref<8192xi32, #tpu.memory_space<hbm>> -> memref<256xi32, #tpu.memory_space<hbm>>
      tpu.enqueue_dma source(%arg13 : memref<256xi32, #tpu.memory_space<vmem>>) target(%dma_start3A_74 : memref<256xi32, #tpu.memory_space<hbm>>) target_semaphore(%run_scoped3A : memref<!tpu.dma_semaphore, #tpu.memory_space<semaphore_mem>>)
      %dma_wait3A = tpu.memref_slice %arg7[%mul3A_73] : memref<8192xi32, #tpu.memory_space<hbm>> -> memref<256xi32, #tpu.memory_space<hbm>>
      %dma_wait3A_75 = tpu.memref_slice %arg7[%mul3A_73] : memref<8192xi32, #tpu.memory_space<hbm>> -> memref<256xi32, #tpu.memory_space<hbm>>
      tpu.wait_dma2 semaphore(%run_scoped3A : memref<!tpu.dma_semaphore, #tpu.memory_space<semaphore_mem>>) src(%arg13 : memref<256xi32, #tpu.memory_space<vmem>>) dst(%dma_wait3A_75 : memref<256xi32, #tpu.memory_space<hbm>>)
      tpu.yield
    }) : () -> ()
    return
  }
}

module attributes {stable_mosaic.version = 14 : i64} {
  func.func @_score_body(%arg0: i32, %arg1: memref<1024x2048xf32, #tpu.memory_space<vmem>>, %arg2: memref<16x2048xf32, #tpu.memory_space<vmem>>, %arg3: memref<16x1024xf32, #tpu.memory_space<vmem>>) attributes {dimension_semantics = [#tpu.dimension_semantics<arbitrary>], iteration_bounds = array<i64: 8>, scalar_prefetch = 0 : i64, scratch_operands = 0 : i64, tpu.core_type = #tpu.core_type<tc>, window_params = [{transform_indices = @transform_0, window_bounds = array<i64: 1024, 2048>}, {pipeline_mode = #tpu.pipeline_mode<synchronous>, transform_indices = @transform_1, window_bounds = array<i64: 16, 2048>}, {transform_indices = @transform_2, window_bounds = array<i64: 16, 1024>}]} {
    %get3A = arith.constant 0 : index
    %get3A_0 = arith.constant 0 : index
    %get3A_1 = vector.load %arg2[%get3A, %get3A_0] : memref<16x2048xf32, #tpu.memory_space<vmem>>, vector<16x2048xf32>
    %get3A_2 = arith.constant 0 : index
    %get3A_3 = arith.constant 0 : index
    %get3A_4 = vector.load %arg1[%get3A_2, %get3A_3] : memref<1024x2048xf32, #tpu.memory_space<vmem>>, vector<1024x2048xf32>
    %dot_general3A = arith.constant dense<0.000000e+00> : vector<16x1024xf32>
    %dot_general3A_5 = tpu.matmul %get3A_1, %get3A_4, %dot_general3A {dimension_numbers = #tpu.dot_dimension_numbers<[1], [1], [0], [0], [0, 0, 1, 0], [], []>, transpose_lhs_hint = false} : vector<16x2048xf32>, vector<1024x2048xf32>, vector<16x1024xf32> -> vector<16x1024xf32>
    %swap3A = arith.constant 0 : index
    %swap3A_6 = arith.constant 0 : index
    %swap3A_7 = vector.load %arg3[%swap3A, %swap3A_6] : memref<16x1024xf32, #tpu.memory_space<vmem>>, vector<16x1024xf32>
    tpu.vector_store %arg3[%swap3A, %swap3A_6], %dot_general3A_5 {strides = array<i32>} : memref<16x1024xf32, #tpu.memory_space<vmem>>, vector<16x1024xf32>,
    return
  }
  func.func @transform_0(%arg0: i32) -> (i32, i32) {
    %c0_i32 = arith.constant 0 : i32
    %c0_i32_0 = arith.constant 0 : i32
    return %arg0, %c0_i32 : i32, i32
  }
  func.func @transform_1(%arg0: i32) -> (i32, i32) {
    %c0_i32 = arith.constant 0 : i32
    %c0_i32_0 = arith.constant 0 : i32
    %c0_i32_1 = arith.constant 0 : i32
    return %c0_i32, %c0_i32_0 : i32, i32
  }
  func.func @transform_2(%arg0: i32) -> (i32, i32) {
    %c0_i32 = arith.constant 0 : i32
    %c0_i32_0 = arith.constant 0 : i32
    return %c0_i32, %arg0 : i32, i32
  }
}

</mosaic_0001>

<sc_bundles>
// kernel: kernel.4.cloned.1.call-start
scs
__scs_entry_jumppad:
0x0: {  	(pc) =	sbr.rel $0x88, $3  }
0x1: {  	(tag) =	ssettag $0x0;
	lr =	simm.s32 $0x1  }
0x2: {  	[smem:$0x3F9E] =	sst lr;
	_ =	strace $0xD0000000  }
0x3: {  	_ = 	snop  }
0x4: {  	_ = 	snop  }
0x5: {  	_ = 	snop  }
0x6: {  	_ = 	snop  }
0x7: {  	_ = 	snop  }
__scs_overlays_trampoline_lowered:
0x8: {  	[smem:$0x3FAD] =	sst s0  }
0x9: {  	[smem:$0x3FAE] =	sst s1  }
0xa: {  	[smem:$0x3FAF] =	sst s2  }
0xb: {  	[smem:$0x3FB0] =	sst s3  }
0xc: {  	[smem:$0x3FB1] =	sst s4  }
0xd: {  	[smem:$0x3FB2] =	sst s5  }
0xe: {  	[smem:$0x3FB3] =	sst s6  }
0xf: {  	[smem:$0x3FB4] =	sst s7  }
0x10: {  	[smem:$0x3FB5] =	sst s8  }
0x11: {  	[smem:$0x3FB6] =	sst s9;
	s0 =	simm.s32 @!p0 $0x0  }
0x12: {  	s1 =	sld [smem:$0x3F9C];
	s0 =	simm.s32 @p0 $0x1  }
0x13: {  	[smem:$0x3FB7] =	sst s0;
	s0 =	simm.s32 @!p1 $0x0  }
0x14: {  	s2 =	sld [smem:$0x3F9B];
	s0 =	simm.s32 @p1 $0x1  }
0x15: {  	[smem:$0x3FB8] =	sst s0;
	s0 =	simm.s32 @!p2 $0x0  }
0x16: {  	s3 =	sld [smem:$0x3FDB];
	s0 =	simm.s32 @p2 $0x1  }
0x17: {  	s4 =	simm.s32 $0x1BF5;
	[smem:$0x3FBA] =	sst s0  }
0x18: {  	s0 =	sld [smem:$0x3F9D];
	_ =	swait.ge [sflag:s4], $0x0  }
0x19: {  	s7 =	sld [smem:$0x3F9E]  }
0x1a: {  	s8 =	sadd.s32 $0xFFFFE003, lr  }
0x1b: {  	s9 =	sadd.s32 $0xFFFFFEF7, lr;
	s5 =	simm.s32 $0xFFFFFFFF;
	p2 =	slt.u32 s8, $0xFFFFF086  }
0x1c: {  	p1 =	slt.u32 s9, $0xF7A;
	s5 =	simm.s32 @!p2 $0x0  }
0x1d: {  	s5 =	simm.s32 @p1 $0x1;
	p0 =	seq.s32 s7, s2  }
0x1e: {  	s7 =	smul.u32 @!p0 $0xF7A, s2;
	p2 =	seq.s32 @!p0 s5, $0x0  }
0x1f: {  	s9 =	smul.u32 $0xF7A, s1;
	s8 =	simm.s32 @!p0 $0x1BF5;
	p2 =	por !p2, p0  }
0x20: {  	[sflag:s8] =	ssyncset.s32 @!p0 $0xFFFFF086;
	s6 =	sadd.s32 @!p0 s3, s7;
	s7 =	simm.s32 @!p0 $0x108  }
0x21: {  	s3 =	sadd.s32 s3, s9;
	s6 =	sadd.s32 @!p0 $0x88, s6;
	s7 =	simm.s32 @p2 $0x1082  }
0x22: {  	[simem:s7], [sflag:s8] =	dma.local @!p0 [hbm:s6], $0xF7A  }
0x23: {  	s9 =	sor.u32 $0xD0000000, s2;
	s6 =	simm.s32 $0x108;
	_ =	swait.ge @!p0 [sflag:s8], $0x0  }
0x24: {  	s3 =	sadd.s32 $0x88, s3;
	s6 =	simm.s32 @!p1 $0x1082;
	[sflag:s4] =	ssyncset.s32 $0xFFFFF086  }
0x25: {  	[simem:s6], [sflag:s4] =	dma.local [hbm:s3], $0xF7A  }
0x26: {  	[smem:$0x3F9E] =	sst s1;
	(tag) =	ssettag s2;
	_ =	strace s9  }
0x27: {  	s1 =	sld [smem:$0x3FAE]  }
0x28: {  	s2 =	sld [smem:$0x3FAF]  }
0x29: {  	s4 =	sld [smem:$0x3FB1]  }
0x2a: {  	p0 =	seq.s32 s5, $0x0;
	s5 =	sld [smem:$0x3FB2]  }
0x2b: {  	s6 =	sld [smem:$0x3FB3]  }
0x2c: {  	s7 =	sld [smem:$0x3FB4]  }
0x2d: {  	s3 =	simm.s32 $0x108;
	s8 =	sld [smem:$0x3FB5]  }
0x2e: {  	s3 =	simm.s32 @!p0 $0x1082;
	s9 =	sld [smem:$0x3FB6]  }
0x2f: {  	lr =	sadd.s32 s0, s3;
	s0 =	sld [smem:$0x3FAD]  }
0x30: {  	s3 =	sld [smem:$0x3FB0]  }
0x31: {  	[smem:$0x3FB9] =	sst s10  }
0x32: {  	s10 =	sld [smem:$0x3FB7];
	_ =	sdelay $0x3  }
0x33: {  	p0 =	seq.s32 s10, $0x1;
	s10 =	sld [smem:$0x3FB9];
	_ =	sdelay $0x3  }
0x34: {  	[smem:$0x3FB9] =	sst s10  }
0x35: {  	s10 =	sld [smem:$0x3FB8];
	_ =	sdelay $0x3  }
0x36: {  	p1 =	seq.s32 s10, $0x1;
	s10 =	sld [smem:$0x3FB9];
	_ =	sdelay $0x3  }
0x37: {  	[smem:$0x3FB9] =	sst s10  }
0x38: {  	s10 =	sld [smem:$0x3FBA]  }
0x39: {  	_ = 	snop;
	(pc) =	sbr.ind lr, $3  }
0x3a: {  	_ = 	snop  }
0x3b: {  	_ = 	snop  }
0x3c: {  	p2 =	seq.s32 s10, $0x1;
	s10 =	sld [smem:$0x3FB9]  }
0x3d: {  	_ =	shalt  }
0x3e: {  	_ =	shalt  }
0x3f: {  	_ =	shalt  }
0x40: {  	_ =	shalt  }
0x41: {  	_ =	shalt  }
0x42: {  	_ =	shalt  }
0x43: {  	_ =	shalt  }
0x44: {  	_ =	shalt  }
0x45: {  	_ =	shalt  }
0x46: {  	_ =	shalt  }
0x47: {  	_ =	shalt  }
0x48: {  	_ =	shalt  }
0x49: {  	_ =	shalt  }
0x4a: {  	_ =	shalt  }
0x4b: {  	_ =	shalt  }
0x4c: {  	_ =	shalt  }
0x4d: {  	_ =	shalt  }
0x4e: {  	_ =	shalt  }
0x4f: {  	_ =	shalt  }
0x50: {  	_ =	shalt  }
0x51: {  	_ =	shalt  }
0x52: {  	_ =	shalt  }
0x53: {  	_ =	shalt  }
0x54: {  	_ =	shalt  }
0x55: {  	_ =	shalt  }
0x56: {  	_ =	shalt  }
0x57: {  	_ =	shalt  }
0x58: {  	_ =	shalt  }
0x59: {  	_ =	shalt  }
0x5a: {  	_ =	shalt  }
0x5b: {  	_ =	shalt  }
0x5c: {  	_ =	shalt  }
0x5d: {  	_ =	shalt  }
0x5e: {  	_ =	shalt  }
0x5f: {  	_ =	shalt  }
0x60: {  	_ =	shalt  }
0x61: {  	_ =	shalt  }
0x62: {  	_ =	shalt  }
0x63: {  	_ =	shalt  }
0x64: {  	_ =	shalt  }
0x65: {  	_ =	shalt  }
0x66: {  	_ =	shalt  }
0x67: {  	_ =	shalt  }
0x68: {  	_ =	shalt  }
0x69: {  	_ =	shalt  }
0x6a: {  	_ =	shalt  }
0x6b: {  	_ =	shalt  }
0x6c: {  	_ =	shalt  }
0x6d: {  	_ =	shalt  }
0x6e: {  	_ =	shalt  }
0x6f: {  	_ =	shalt  }
0x70: {  	_ =	shalt  }
0x71: {  	_ =	shalt  }
0x72: {  	_ =	shalt  }
0x73: {  	_ =	shalt  }
0x74: {  	_ =	shalt  }
0x75: {  	_ =	shalt  }
0x76: {  	_ =	shalt  }
0x77: {  	_ =	shalt  }
0x78: {  	_ =	shalt  }
0x79: {  	_ =	shalt  }
0x7a: {  	_ =	shalt  }
0x7b: {  	_ =	shalt  }
0x7c: {  	_ =	shalt  }
0x7d: {  	_ =	shalt  }
0x7e: {  	_ =	shalt  }
0x7f: {  	_ =	shalt  }
0x80: {  	_ =	shalt  }
0x81: {  	_ =	shalt  }
0x82: {  	_ =	shalt  }
0x83: {  	_ =	shalt  }
0x84: {  	_ =	shalt  }
0x85: {  	_ =	shalt  }
0x86: {  	_ =	shalt  }
0x87: {  	_ =	shalt  }
.Lfunc_end0:
.L_simem_size_0:
called_computation_lowered:
.L_overlay_start_0:
0x88: {  	s2 =	sld [smem:$0x3FD9]  }
0x89: {  	s3 =	sld [smem:$0x3FFE];
	_ =	sdelay $0x1  }
0x8a: {  	s1 =	srdreg.scid  }
0x8b: {  	s0 =	sand.u32 $0x1, s1  }
0x8c: {  	s14 =	sshll.u32 s0, $0xA;
	s2 =	sadd.s32 s3, s2  }
0x8d: {  	s2 =	sadd.s32 s2, s14  }
0x8e: {  	[smem:$0x3FC5] =	sst s2  }
0x8f: {  	_ = 	snop  }
0x90: {  	s2 =	sld [smem:$0x3FD0];
	_ =	sdelay $0x2  }
0x91: {  	s4 =	simm.s32 $0xA;
	s5 =	simm.s32 $0x10;
	s15 =	sld [smem:$0x3FC7]  }
0x92: {  	[smem:s5], [sflag:s4] =	dma.local [hbm:s2], $0x1  }
0x93: {  	_ =	swait.eq [sflag:s4], $0x1  }
0x94: {  	[sflag:s4] =	ssyncset.done $0x0  }
0x95: {  	[sflag:s4] =	ssyncadd.s32 $0xFFFFFFFF  }
0x96: {  	s16 =	sld [smem:$0x11];
	(tm) =	ssettm $0x1  }
0x97: {  	s17 =	sld [smem:$0x3FFB];
	_ =	sdelay $0x3  }
0x98: {  	_ =	strace s17  }
0x99: {  	s4 =	sld [smem:$0x3FFC];
	_ =	sdelay $0x3  }
0x9a: {  	_ =	strace s4  }
0x9b: {  	s4 =	sld [smem:$0x3FFD];
	_ =	sdelay $0x3  }
0x9c: {  	_ =	strace s4  }
0x9d: {  	_ =	strace $0x8FFFFFFF  }
0x9e: {  	s18 =	sld [smem:$0x3FDB];
	_ =	sdelay $0x1  }
0x9f: {  	s19 =	simm.s32 $_scs_section_size  }
0xa0: {  	s6 =	simm.s32 $_size__tile_overlayer_lowered;
	s7 =	simm.s32 $_tile_overlayer_lowered  }
0xa1: {  	s22 =	simm.s32 $0x1BFF;
	s21 =	sshll.u32 s7, $0x1;
	s4 =	sadd.s32 s19, s18  }
0xa2: {  	s8 =	simm.s32 $0x0;
	s20 =	sshll.u32 s6, $0x1;
	s6 =	sadd.s32 s21, s4  }
0xa3: {  	[timem:s8], [sflag:s22] =	dma.local [hbm:s6], s20  }
0xa4: {  	_ =	swait.ge [sflag:s22], s20  }
0xa5: {  	s5 =	ssub.s32 $0x0, s20;
	[sflag:s22] =	ssyncset.done $0x0  }
0xa6: {  	[sflag:s22] =	ssyncadd.s32 s5;
	_ =	sdelay $0x1  }
0xa7: {  	s23 =	simm.s32 $0x1B8B  }
0xa8: {  	_ =	swait.ge [sflag:s23], $0x1  }
0xa9: {  	[sflag:s23] =	ssyncset.done $0x0  }
0xaa: {  	s25 =	simm.s32 $0x1B8E;
	s24 =	sld [smem:$0x3FFE];
	[sflag:s23] =	ssyncadd.s32 $0xFFFFFFFF  }
0xab: {  	s26 =	simm.s32 $execute0_lowered;
	[smem:$0x3FD2] =	sst s25  }
0xac: {  	s6 =	sshll.u32 s26, $0x1;
	_ =	strace $0x80000046;
	[dreg:$0x1] =	wrdreg $0xFFFFFFFF  }
0xad: {  	s28 =	simm.s32 $_size_execute0_lowered;
	s4 =	sadd.s32 s4, s6;
	[dreg:$0x0] =	wrdreg $0x0  }
0xae: {  	s6 =	sshll.u32 s28, $0x1;
	[dreg:$0x2] =	wrdreg s4  }
0xaf: {  	[dreg:$0x3] =	wrdreg s6  }
0xb0: {  	[dreg:$0x4] =	wrdreg $0xC0  }
0xb1: {  	_ =	task [dreg:s8], $0x5FFFF  }
0xb2: {  	[dreg:$0x1] =	wrdreg $0xFFFFFFFF  }
0xb3: {  	[dreg:$0x0] =	wrdreg $0x60  }
0xb4: {  	[dreg:$0x2] =	wrdreg s24  }
0xb5: {  	[dreg:$0x3] =	wrdreg s15  }
0xb6: {  	[dreg:$0x4] =	wrdreg s16  }
0xb7: {  	[dreg:$0x5] =	wrdreg $0x9  }
0xb8: {  	_ =	task.clear_ibuf [dreg:s8], $0x6FFFF;
	_ =	strace $0x90000046  }
0xb9: {  	s29 =	simm.s32 $0x9;
	_ =	strace $0x80000048  }
0xba: {  	_ =	swait.ge [sflag:s29], $0x1  }
0xbb: {  	[sflag:s29] =	ssyncadd.s32 $0xFFFFFFFF  }
0xbc: {  	_ =	strace $0x90000048  }
0xbd: {  	_ =	sfence  }
0xbe: {  	s30 =	sld [smem:$0x0];
	_ =	sdelay $0x2  }
0xbf: {  	s31 =	sshll.u32 s1, $0xD;
	s1 =	sshrl.u32 s1, $0x2  }
0xc0: {  	s3 =	sand.u32 $0x4000, s31;
	s1 =	sadd.s32 s1, s30  }
0xc1: {  	s0 =	sor.u32 s3, s0;
	s1 =	sshll.u32 s1, $0x11  }
0xc2: {  	s0 =	sor.u32 s1, s0  }
0xc3: {  	s0 =	sadd.s32 $0x8F2B, s0  }
0xc4: {  	[sflag:s0] =	ssyncadd.remote.s32 $0x1  }
0xc5: {  	_ =	sfence.sel $0xFFFF  }
0xc6: {  	[dreg:$0x0] =	wrdreg $0xFFFFFFFF;
	(pc) =	sbr.abs _section_cstart, $3  }
0xc7: {  	[dreg:$0x1] =	wrdreg $0xFFFFFFFF  }
0xc8: {  	_ =	task.clear_ibuf [dreg:s8], $0x2FFFF;
	_ =	strace $0x9FFFFFFF  }
0xc9: {  	(tm) =	ssettm $0x7FFFFFFF  }
tec
execute0_lowered:
.L_overlay_start_1:
0x0: {  	(tag) =	ssettag $0x1  }
0x1: {  	s4 =	rddreg [dreg:$0x0]  }
0x2: {  	s2 =	rddreg [dreg:$0x1]  }
0x3: {  	s5 =	rddreg [dreg:$0x2];
	s3 =	srdreg.scid  }
0x4: {  	s0 =	rddreg [dreg:$0x3];
	s1 =	stileid.u32;
	s11 =	simm.s32 $0x1  }
0x5: {  	s12 =	simm.s32 $0x800;
	s13 =	simm.s32 $0x10000;
	s14 =	simm.s32 $0x1080  }
0x6: {  	s15 =	simm.s32 $0x1180;
	s16 =	simm.s32 $0x1280;
	s17 =	simm.s32 $0x1380  }
0x7: {  	s18 =	simm.s32 $0x0;
	s6 =	sand.u32 $0x1, s3;
	s3 =	simm.s32 $0x0  }
0x8: {  	v0 =	vimm.s32 $0x0;
	s7 =	sshll.u32 s1, $0x9;
	s8 =	sshll.u32 s6, $0x8;
	[smem:$0x7FF] =	sst s3  }
0x9: {  	v1 =	vimm.s32 $0x1;
	v2 =	vimm.s32 $0x2;
	v3 =	vimm.s32 $0x3;
	s6 =	ssub.s32 $0x2, s6;
	s7 =	sor.u32 s8, s7;
	_ =	strace $0x80000047  }
0xa: {  	v4 =	vimm.s32 $0x4;
	v5 =	vimm.s32 $0x5;
	v6 =	vimm.s32 $0x6;
	s9 =	sshrl.u32 s6, $0x1;
	s8 =	sshrl.u32 s7, $0x3;
	s7 =	sadd.s32 s7, s4  }
0xb: {  	v7 =	vimm.s32 $0x7;
	v8 =	vimm.s32 $0x8;
	v9 =	vimm.s32 $0x9;
	s9 =	ssub.s32 s6, s9;
	s10 =	sadd.s32 s8, s4;
	s4 =	sadd.s32 $0xC00, s7  }
0xc: {  	v10 =	vimm.s32 $0xA;
	v11 =	vimm.s32 $0xB;
	v12 =	vimm.s32 $0xC;
	s5 =	sadd.s32 s5, s8;
	s9 =	smax.u32 s9, $0x1;
	s6 =	sadd.s32 $0x4C00, s10  }
0xd: {  	v13 =	vimm.s32 $0xD;
	v14 =	vimm.s32 $0xE;
	v15 =	vimm.s32 $0xF;
	s7 =	sadd.s32 $0x5000, s10;
	s8 =	sadd.s32 $0x5400, s10;
	s10 =	simm.s32 $0x1000  }
.LBB2_1:
0xe: {  	[tilespmem:s10], [sflag:$0x1] =	stream.linear.gather [hbm4b:s2+s3], $0x80, $0x38;
	[tilespmem:$0x1480] =	vst v63  }
0xf: {  	_ =	swait.ge [sflag:s11], $0x80  }
0x10: {  	[sflag:s11] =	ssyncset.done $0x0  }
0x11: {  	[sflag:s11] =	ssyncadd.s32 $0xFFFFFF80  }
0x12: {  	[tilespmem:s3], [sflag:$0x1] =	stream.strided.gather [hbm4b:s4+s12], $0x1000, s13, s12, $0x38;
	[tilespmem:$0x1480] =	vst v63  }
0x13: {  	_ =	swait.ge [sflag:s11], $0x1000  }
0x14: {  	[sflag:s11] =	ssyncset.done $0x0  }
0x15: {  	s19 =	sand.u32 $0x70, s3;
	s20 =	sand.u32 $0x400, s3;
	[sflag:s11] =	ssyncadd.s32 $0xFFFFF000  }
0x16: {  	s19 =	sor.u32 s19, s20;
	v31 =	vld [tilespmem:$0x1000]  }
0x17: {  	v16 =	vld [tilespmem:s19+$0x80]  }
0x18: {  	v17 =	vld [tilespmem:s19+$0x0];
	_ =	sdelay $0x2  }
0x19: {  	v20 =	vperm.xlane v31, v1;
	v19 =	vperm.xlane v31, v0;
	_ =	sdelay $0x1  }
0x1a: {  	v18 =	vld [tilespmem:s19+$0x100];
	v21 =	vadd.f32 v16, v20;
	v22 =	vadd.f32 v17, v19;
	_ =	sdelay $0x1  }
0x1b: {  	v16 =	vperm.xlane v31, v2;
	v17 =	vimm.s32 $0x0;
	vm2 =	vgt.f32 v21, v22  }
0x1c: {  	vm0 =	vlt.f32 v21, $-Inf;
	vm1 =	vgt.f32 v21, $-Inf;
	v17 =	vsel vm2, $0xFFFFFFFF, v17  }
0x1d: {  	vm0 =	vmor vm1, vm0;
	[tilespmem:$0x1FF10] =	vst v17;
	v17 =	vimm.s32 $0x0  }
0x1e: {  	v23 =	vld [tilespmem:s19+$0x180];
	v24 =	vadd.f32 v18, v16;
	v17 =	vsel vm0, $0xFFFFFFFF, v17  }
0x1f: {  	vm10 =	vmneg vm2;
	v18 =	vnsel vm0, $0xFF800000, v21;
	[tilespmem:$0x1FF00] =	vst v17;
	v17 =	vimm.s32 $0x0  }
0x20: {  	v21 =	vsel vm10, v22, v21;
	v18 =	vsel vm10, v18, v22;
	v17 =	vsel vm10, $0xFFFFFFFF, v17  }
0x21: {  	v25 =	vld [tilespmem:s19+$0x200];
	v22 =	vimm.s32 $0x0;
	vm11 =	vgt.f32 v24, v18;
	[tilespmem:$0x1FEF0] =	vst v17;
	v17 =	vperm.xlane v31, v3  }
0x22: {  	v22 =	vsel vm11, $0xFFFFFFFF, v22  }
0x23: {  	vm12 =	vgt.f32 v24, v21;
	[tilespmem:$0x1FF20] =	vst v22;
	v22 =	vsel vm11, v24, v18;
	v23 =	vadd.f32 v23, v17  }
0x24: {  	v18 =	vperm.xlane v31, v4;
	v22 =	vsel vm12, v21, v22  }
0x25: {  	v26 =	vld [tilespmem:s19+$0x280];
	v24 =	vsel vm12, v24, v21;
	v21 =	vimm.s32 $0x0;
	vm15 =	vgt.f32 v23, v22  }
0x26: {  	v25 =	vadd.f32 v25, v18;
	vm10 =	vgt.f32 v23, v24;
	v22 =	vsel vm15, v23, v22  }
0x27: {  	v21 =	vsel vm15, $0xFFFFFFFF, v21;
	v23 =	vsel vm10, v23, v24;
	v22 =	vsel vm10, v24, v22  }
0x28: {  	v27 =	vld [tilespmem:s19+$0x300];
	[tilespmem:$0x1FF30] =	vst v21;
	v21 =	vperm.xlane v31, v5;
	v24 =	vimm.s32 $0x0;
	vm4 =	vgt.f32 v25, v22  }
0x29: {  	v24 =	vsel vm4, $0xFFFFFFFF, v24  }
0x2a: {  	vm8 =	vgt.f32 v25, v23;
	v26 =	vadd.f32 v26, v21;
	[tilespmem:$0x1FF40] =	vst v24;
	v24 =	vsel vm4, v25, v22  }
0x2b: {  	v22 =	vperm.xlane v31, v6;
	v25 =	vsel vm8, v25, v23;
	v24 =	vsel vm8, v23, v24  }
0x2c: {  	v28 =	vld [tilespmem:s19+$0x380];
	v23 =	vimm.s32 $0x0;
	vm9 =	vgt.f32 v26, v25;
	vm5 =	vgt.f32 v26, v24  }
0x2d: {  	v27 =	vadd.f32 v27, v22;
	v23 =	vsel vm5, $0xFFFFFFFF, v23;
	v24 =	vsel vm5, v26, v24  }
0x2e: {  	[tilespmem:$0x1FF50] =	vst v23;
	v23 =	vperm.xlane v31, v7;
	v24 =	vsel vm9, v25, v24  }
0x2f: {  	v29 =	vld [tilespmem:s19+$0x800];
	v25 =	vsel vm9, v26, v25;
	v26 =	vimm.s32 $0x0;
	vm6 =	vgt.f32 v27, v24  }
0x30: {  	v26 =	vsel vm6, $0xFFFFFFFF, v26  }
0x31: {  	vm11 =	vgt.f32 v27, v25;
	v28 =	vadd.f32 v28, v23;
	[tilespmem:$0x1FF60] =	vst v26;
	v26 =	vsel vm6, v27, v24  }
0x32: {  	v24 =	vperm.xlane v31, v8;
	v27 =	vsel vm11, v27, v25;
	v26 =	vsel vm11, v25, v26  }
0x33: {  	v30 =	vld [tilespmem:s19+$0x880];
	v25 =	vimm.s32 $0x0;
	vm13 =	vgt.f32 v28, v27;
	vm7 =	vgt.f32 v28, v26  }
0x34: {  	v29 =	vadd.f32 v29, v24;
	v25 =	vsel vm7, $0xFFFFFFFF, v25;
	v26 =	vsel vm7, v28, v26  }
0x35: {  	[tilespmem:$0x1FF70] =	vst v25;
	v25 =	vperm.xlane v31, v9;
	v26 =	vsel vm13, v27, v26  }
0x36: {  	v32 =	vld [tilespmem:s19+$0x900];
	v27 =	vsel vm13, v28, v27;
	v28 =	vimm.s32 $0x0;
	vm4 =	vgt.f32 v29, v26  }
0x37: {  	v28 =	vsel vm4, $0xFFFFFFFF, v28  }
0x38: {  	vm15 =	vgt.f32 v29, v27;
	v30 =	vadd.f32 v30, v25;
	[tilespmem:$0x1FF80] =	vst v28;
	v28 =	vsel vm4, v29, v26  }
0x39: {  	v26 =	vperm.xlane v31, v10;
	v29 =	vsel vm15, v29, v27;
	v28 =	vsel vm15, v27, v28  }
0x3a: {  	v33 =	vld [tilespmem:s19+$0x980];
	v27 =	vimm.s32 $0x0;
	vm7 =	vgt.f32 v30, v29;
	vm5 =	vgt.f32 v30, v28  }
0x3b: {  	v32 =	vadd.f32 v32, v26;
	v27 =	vsel vm5, $0xFFFFFFFF, v27;
	v28 =	vsel vm5, v30, v28  }
0x3c: {  	v34 =	vld [tilespmem:s19+$0xA00];
	[tilespmem:$0x1FF90] =	vst v27;
	v27 =	vperm.xlane v31, v11;
	v28 =	vsel vm7, v29, v28  }
0x3d: {  	v29 =	vsel vm7, v30, v29;
	v30 =	vimm.s32 $0x0;
	vm6 =	vgt.f32 v32, v28  }
0x3e: {  	v30 =	vsel vm6, $0xFFFFFFFF, v30;
	v61 =	vsel vm6, v32, v28  }
0x3f: {  	vm6 =	vgt.f32 v32, v29;
	v28 =	vperm.xlane v31, v12;
	[tilespmem:$0x1FFA0] =	vst v30;
	v30 =	vadd.f32 v33, v27  }
0x40: {  	v33 =	vsel vm6, v29, v61;
	v32 =	vsel vm6, v32, v29  }
0x41: {  	v35 =	vld [tilespmem:s19+$0xA80];
	v29 =	vimm.s32 $0x0;
	v34 =	vadd.f32 v34, v28;
	vm14 =	vgt.f32 v30, v33  }
0x42: {  	vm5 =	vgt.f32 v30, v32;
	v29 =	vsel vm14, $0xFFFFFFFF, v29;
	v33 =	vsel vm14, v30, v33  }
0x43: {  	[tilespmem:$0x1FFB0] =	vst v29;
	v29 =	vperm.xlane v31, v13;
	v33 =	vsel vm5, v32, v33  }
0x44: {  	v36 =	vld [tilespmem:s19+$0xB00];
	v32 =	vsel vm5, v30, v32;
	v30 =	vimm.s32 $0x0;
	vm4 =	vgt.f32 v34, v33  }
0x45: {  	v30 =	vsel vm4, $0xFFFFFFFF, v30  }
0x46: {  	v35 =	vadd.f32 v35, v29;
	v33 =	vsel vm4, v34, v33;
	vm4 =	vgt.f32 v34, v32  }
0x47: {  	v37 =	vld [tilespmem:s19+$0xB80];
	[tilespmem:$0x1FFC0] =	vst v30;
	v30 =	vperm.xlane v31, v14;
	v33 =	vsel vm4, v32, v33  }
0x48: {  	v32 =	vsel vm4, v34, v32;
	vm14 =	vgt.f32 v35, v33  }
0x49: {  	vm1 =	vgt.f32 v35, v32;
	v63 =	vadd.f32 v36, v30;
	v33 =	vsel vm14, v35, v33  }
0x4a: {  	v62 =	vimm.s32 $0x0;
	v40 =	vld [tilespmem:$0x1FEF0];
	v31 =	vperm.xlane v31, v15;
	v33 =	vsel vm1, v32, v33  }
0x4b: {  	v41 =	vld [tilespmem:$0x1FF00];
	v34 =	vsel vm14, $0xFFFFFFFF, v62;
	v32 =	vsel vm1, v35, v32;
	vm14 =	vgt.f32 v63, v33  }
0x4c: {  	v44 =	vld [tilespmem:$0x1FF10];
	v38 =	vadd.f32 v37, v31;
	vm2 =	vgt.f32 v63, v32;
	v33 =	vsel vm14, v63, v33  }
0x4d: {  	v39 =	vimm.s32 $0x0;
	v45 =	vld [tilespmem:$0x1FF20];
	v36 =	vimm.s32 $0x0;
	v33 =	vsel vm2, v32, v33  }
0x4e: {  	v35 =	vsel vm14, $0xFFFFFFFF, v36;
	v32 =	vsel vm2, v63, v32;
	vm14 =	vgt.f32 v38, v33  }
0x4f: {  	vm0 =	vnez.u8 v40;
	[tilespmem:$0x1FFD0] =	vst v34;
	vm3 =	vgt.f32 v38, v32;
	v34 =	vsel vm14, $0xFFFFFFFF, v39  }
0x50: {  	v46 =	vld [tilespmem:$0x1FF30];
	v33 =	vsel vm14, v38, v33;
	vm14 =	vnez.u8 v41;
	v42 =	vsel vm3, v38, v32  }
0x51: {  	vm0 =	vmand vm0, vm14;
	v32 =	vsel vm3, v32, v33;
	vm14 =	vnez.u8 v44  }
0x52: {  	v49 =	vld [tilespmem:$0x1FF40];
	[tilespmem:$0x1FFF0] =	vst v34;
	v43 =	vsel vm0, $0x1, v0;
	v34 =	vsel vm14, $0x1, v0;
	vm14 =	vnez.u8 v45  }
0x53: {  	v32 =	vsub.f32 v32, v42;
	v33 =	vsel vm14, $0x2, v43  }
0x54: {  	v50 =	vld [tilespmem:$0x1FF50];
	v33 =	vsel vm12, v34, v33  }
0x55: {  	v32 =	vmul.f32 $1.442695020e+00, v32;
	v34 =	vsel vm12, $0x2, v34;
	vm12 =	vnez.u8 v46  }
0x56: {  	v51 =	vld [tilespmem:$0x1FF60];
	v33 =	vsel vm12, $0x3, v33  }
0x57: {  	vm14 =	vnez.u8 v49;
	(erf) = vpow2.f32 v32;
	v47 =	vsel vm10, v34, v33  }
0x58: {  	v52 =	vld [tilespmem:$0x1FF70];
	v48 =	vsel vm10, $0x3, v34;
	v32 =	vsel vm14, $0x4, v47  }
0x59: {  	vm10 =	vnez.u8 v50;
	v32 =	vsel vm8, v48, v32  }
0x5a: {  	v53 =	vld [tilespmem:$0x1FF80];
	v33 =	vsel vm8, $0x4, v48;
	v32 =	vsel vm10, $0x5, v32  }
0x5b: {  	vm12 =	vnez.u8 v51;
	v32 =	vsel vm9, v33, v32  }
0x5c: {  	v56 =	vld [tilespmem:$0x1FF90];
	v33 =	vsel vm9, $0x5, v33;
	v32 =	vsel vm12, $0x6, v32  }
0x5d: {  	vm14 =	vnez.u8 v52;
	v32 =	vsel vm11, v33, v32  }
0x5e: {  	v57 =	vld [tilespmem:$0x1FFA0];
	v33 =	vsel vm11, $0x6, v33;
	v32 =	vsel vm14, $0x7, v32  }
0x5f: {  	vm8 =	vnez.u8 v53;
	v32 =	vsel vm13, v33, v32  }
0x60: {  	v58 =	vld [tilespmem:$0x1FFB0];
	v33 =	vsel vm13, $0x7, v33;
	v32 =	vsel vm8, $0x8, v32;
	v54 =	vpop (erf)  }
0x61: {  	vm9 =	vnez.u8 v56;
	v32 =	vsel vm15, v33, v32;
	v55 =	vadd.f32 $1.000000000e+00, v54  }
0x62: {  	v59 =	vld [tilespmem:$0x1FFC0];
	v33 =	vsel vm15, $0x8, v33;
	v32 =	vsel vm9, $0x9, v32  }
0x63: {  	vm10 =	vnez.u8 v57;
	(erf) = vrcp.f32 v55;
	v32 =	vsel vm7, v33, v32  }
0x64: {  	v60 =	vld [tilespmem:$0x1FFD0];
	v33 =	vsel vm7, $0x9, v33;
	v32 =	vsel vm10, $0xA, v32  }
0x65: {  	[tilespmem:$0x1FFE0] =	vst v35;
	vm11 =	vnez.u8 v58;
	v32 =	vsel vm6, v33, v32  }
0x66: {  	v61 =	vld [tilespmem:$0x1FFE0];
	v33 =	vsel vm6, $0xA, v33;
	v32 =	vsel vm11, $0xB, v32  }
0x67: {  	vm12 =	vnez.u8 v59;
	v32 =	vsel vm5, v33, v32  }
0x68: {  	v63 =	vld [tilespmem:$0x1FFF0];
	v33 =	vsel vm5, $0xB, v33;
	v32 =	vsel vm12, $0xC, v32  }
0x69: {  	vm13 =	vnez.u8 v60;
	v32 =	vsel vm4, v33, v32  }
0x6a: {  	v33 =	vsel vm4, $0xC, v33;
	v32 =	vsel vm13, $0xD, v32  }
0x6b: {  	vm14 =	vnez.u8 v61;
	v32 =	vsel vm1, v33, v32  }
0x6c: {  	s21 =	simm.s32 $0x10;
	s30 =	simm.s32 $0x20;
	v33 =	vsel vm1, $0xD, v33;
	v32 =	vsel vm14, $0xE, v32;
	v62 =	vpop (erf)  }
0x6d: {  	s23 =	simm.s32 $0x80;
	s25 =	simm.s32 $0x1280;
	s22 =	simm.s32 $0x1080;
	vm15 =	vnez.u8 v63;
	v32 =	vsel vm2, v33, v32;
	v34 =	vmul.f32 v62, v54  }
0x6e: {  	s24 =	simm.s32 $0x1380;
	s20 =	simm.s32 $0x1390;
	s28 =	sand.u32 $0x70, s21;
	v33 =	vsel vm2, $0xE, v33;
	[tilespmem:s14+$0x0] =	vst v62;
	v32 =	vsel vm15, $0xF, v32  }
0x6f: {  	s29 =	sand.u32 $0x400, s23;
	s21 =	simm.s32 $0x1190;
	s19 =	simm.s32 $0x1290;
	v32 =	vsel vm3, v33, v32;
	v33 =	vsel vm3, $0xF, v33;
	[tilespmem:s15+$0x0] =	vst v34  }
.LBB2_2:
0x70: {  	s29 =	sor.u32 s28, s29;
	s22 =	sadd.s32 $0x10, s22  }
0x71: {  	[tilespmem:s25+$0x0] =	vst v33;
	s28 =	smov.u32 s30;
	s26 =	sadd.s32 $0x10, s30;
	s25 =	smov.u32 s19  }
0x72: {  	p0 =	sne.s32 s30, $0xF0;
	[tilespmem:s24+$0x0] =	vst v32;
	s24 =	smov.u32 s20  }
0x73: {  	v32 =	vld [tilespmem:s29+$0x80]  }
0x74: {  	v33 =	vld [tilespmem:s29+$0x0];
	_ =	sdelay $0x1  }
0x75: {  	v34 =	vld [tilespmem:s29+$0x100];
	_ =	sdelay $0x1  }
0x76: {  	v32 =	vadd.f32 v32, v20  }
0x77: {  	v33 =	vadd.f32 v33, v19;
	v35 =	vld [tilespmem:s29+$0x180]  }
0x78: {  	vm0 =	vlt.f32 v32, $-Inf;
	vm1 =	vgt.f32 v32, $-Inf  }
0x79: {  	vm2 =	vgt.f32 v32, v33;
	vm0 =	vmor vm1, vm0;
	v34 =	vadd.f32 v34, v16;
	v36 =	vld [tilespmem:s29+$0xA80]  }
0x7a: {  	vm1 =	vmneg vm2;
	v37 =	vnsel vm0, $0xFF800000, v32;
	v38 =	vsel vm2, $0x1, v0;
	v39 =	vld [tilespmem:s29+$0x200]  }
0x7b: {  	v37 =	vsel vm1, v37, v33;
	vm0 =	vmand vm1, vm0;
	v32 =	vsel vm1, v33, v32  }
0x7c: {  	v33 =	vsel vm0, $0x1, v0;
	vm0 =	vgt.f32 v34, v32;
	vm1 =	vgt.f32 v34, v37  }
0x7d: {  	v35 =	vadd.f32 v35, v17;
	v37 =	vsel vm1, v34, v37;
	v33 =	vsel vm1, $0x2, v33;
	v40 =	vld [tilespmem:s29+$0x280]  }
0x7e: {  	v37 =	vsel vm0, v32, v37;
	v33 =	vsel vm0, v38, v33;
	v38 =	vsel vm0, $0x2, v38  }
0x7f: {  	v34 =	vsel vm0, v34, v32;
	v32 =	vadd.f32 v36, v29;
	vm0 =	vgt.f32 v35, v37  }
0x80: {  	vm1 =	vgt.f32 v35, v34;
	v36 =	vsel vm0, v35, v37;
	v37 =	vadd.f32 v39, v18;
	v39 =	vld [tilespmem:s29+$0x300]  }
0x81: {  	v36 =	vsel vm1, v34, v36;
	v34 =	vsel vm1, v35, v34;
	v35 =	vsel vm1, $0x3, v38  }
0x82: {  	v33 =	vsel vm0, $0x3, v33;
	vm0 =	vgt.f32 v37, v34;
	vm2 =	vgt.f32 v37, v36  }
0x83: {  	v33 =	vsel vm1, v38, v33;
	v38 =	vadd.f32 v40, v21;
	v36 =	vsel vm2, v37, v36;
	v40 =	vld [tilespmem:s29+$0x380]  }
0x84: {  	v33 =	vsel vm2, $0x4, v33;
	v36 =	vsel vm0, v34, v36;
	v34 =	vsel vm0, v37, v34;
	v37 =	vld [tilespmem:s29+$0x800]  }
0x85: {  	v33 =	vsel vm0, v35, v33;
	vm1 =	vgt.f32 v38, v34;
	vm2 =	vgt.f32 v38, v36  }
0x86: {  	v39 =	vadd.f32 v39, v22;
	v36 =	vsel vm2, v38, v36;
	v38 =	vsel vm1, v38, v34  }
0x87: {  	v35 =	vsel vm0, $0x4, v35;
	v33 =	vsel vm2, $0x5, v33;
	v34 =	vsel vm1, v34, v36  }
0x88: {  	v36 =	vsel vm1, $0x5, v35;
	vm0 =	vgt.f32 v39, v38;
	vm2 =	vgt.f32 v39, v34  }
0x89: {  	v40 =	vadd.f32 v40, v23;
	v34 =	vsel vm2, v39, v34;
	v39 =	vsel vm0, v39, v38;
	v41 =	vld [tilespmem:s29+$0x880]  }
0x8a: {  	v33 =	vsel vm1, v35, v33;
	v35 =	vsel vm0, $0x6, v36;
	v34 =	vsel vm0, v38, v34  }
0x8b: {  	v33 =	vsel vm2, $0x6, v33;
	vm1 =	vgt.f32 v40, v39;
	vm2 =	vgt.f32 v40, v34  }
0x8c: {  	v37 =	vadd.f32 v37, v24;
	v38 =	vsel vm1, v40, v39;
	v34 =	vsel vm2, v40, v34;
	v40 =	vld [tilespmem:s29+$0x900]  }
0x8d: {  	v33 =	vsel vm0, v36, v33;
	v36 =	vsel vm1, $0x7, v35;
	v34 =	vsel vm1, v39, v34  }
0x8e: {  	v33 =	vsel vm2, $0x7, v33;
	vm0 =	vgt.f32 v37, v38;
	vm2 =	vgt.f32 v37, v34  }
0x8f: {  	v33 =	vsel vm1, v35, v33;
	v35 =	vadd.f32 v41, v25;
	v34 =	vsel vm2, v37, v34;
	v39 =	vld [tilespmem:s29+$0x980]  }
0x90: {  	v33 =	vsel vm2, $0x8, v33;
	v37 =	vsel vm0, v37, v38;
	v34 =	vsel vm0, v38, v34  }
0x91: {  	v38 =	vsel vm0, $0x8, v36;
	vm1 =	vgt.f32 v35, v37;
	vm2 =	vgt.f32 v35, v34  }
0x92: {  	v33 =	vsel vm0, v36, v33;
	v36 =	vadd.f32 v40, v26;
	v34 =	vsel vm2, v35, v34  }
0x93: {  	v35 =	vsel vm1, v35, v37;
	v34 =	vsel vm1, v37, v34;
	v37 =	vsel vm1, $0x9, v38;
	v40 =	vld [tilespmem:s29+$0xA00]  }
0x94: {  	vm0 =	vgt.f32 v36, v35;
	vm3 =	vgt.f32 v36, v34;
	v39 =	vadd.f32 v39, v27  }
0x95: {  	v33 =	vsel vm2, $0x9, v33;
	v41 =	vsel vm0, $0xA, v37;
	v34 =	vsel vm3, v36, v34  }
0x96: {  	v33 =	vsel vm1, v38, v33;
	v34 =	vsel vm0, v35, v34;
	v35 =	vsel vm0, v36, v35  }
0x97: {  	v33 =	vsel vm3, $0xA, v33;
	vm1 =	vgt.f32 v39, v35;
	vm2 =	vgt.f32 v39, v34;
	v36 =	vld [tilespmem:s29+$0xB00]  }
0x98: {  	v33 =	vsel vm0, v37, v33;
	v34 =	vsel vm2, v39, v34;
	v37 =	vadd.f32 v40, v28  }
0x99: {  	v33 =	vsel vm2, $0xB, v33;
	v34 =	vsel vm1, v35, v34;
	v35 =	vsel vm1, v39, v35  }
0x9a: {  	v33 =	vsel vm1, v41, v33;
	vm0 =	vgt.f32 v37, v35;
	vm2 =	vgt.f32 v37, v34;
	v38 =	vld [tilespmem:s29+$0xB80]  }
0x9b: {  	v34 =	vsel vm2, v37, v34;
	v33 =	vsel vm2, $0xC, v33;
	v37 =	vsel vm0, v37, v35  }
0x9c: {  	v39 =	vsel vm1, $0xB, v41;
	v34 =	vsel vm0, v35, v34;
	v35 =	vadd.f32 v36, v30  }
0x9d: {  	v36 =	vsel vm0, $0xC, v39;
	vm1 =	vgt.f32 v32, v37;
	vm2 =	vgt.f32 v32, v34  }
0x9e: {  	v34 =	vsel vm2, v32, v34;
	v32 =	vsel vm1, v32, v37  }
0x9f: {  	v34 =	vsel vm1, v37, v34;
	v37 =	vsel vm1, $0xD, v36;
	v38 =	vadd.f32 v38, v31  }
0xa0: {  	v33 =	vsel vm0, v39, v33;
	vm3 =	vgt.f32 v35, v32;
	vm4 =	vgt.f32 v35, v34  }
0xa1: {  	v33 =	vsel vm2, $0xD, v33;
	v34 =	vsel vm4, v35, v34  }
0xa2: {  	v33 =	vsel vm1, v36, v33;
	v34 =	vsel vm3, v32, v34;
	v32 =	vsel vm3, v35, v32  }
0xa3: {  	v35 =	vsel vm3, $0xE, v37;
	vm0 =	vgt.f32 v38, v32;
	vm1 =	vgt.f32 v38, v34  }
0xa4: {  	v33 =	vsel vm4, $0xE, v33;
	v34 =	vsel vm1, v38, v34;
	v36 =	vsel vm0, v38, v32  }
0xa5: {  	v33 =	vsel vm3, v37, v33;
	v32 =	vsel vm0, v32, v34  }
0xa6: {  	v33 =	vsel vm1, $0xF, v33;
	v34 =	vsub.f32 v32, v36  }
0xa7: {  	v32 =	vsel vm0, v35, v33  }
0xa8: {  	v33 =	vmul.f32 $1.442695020e+00, v34;
	_ =	sdelay $0x1  }
0xa9: {  	(erf) = vpow2.f32 v33;
	_ =	sdelay $0x8  }
0xaa: {  	v33 =	vpop (erf)  }
0xab: {  	v34 =	vadd.f32 $1.000000000e+00, v33;
	_ =	sdelay $0x1  }
0xac: {  	(erf) = vrcp.f32 v34;
	_ =	sdelay $0x7  }
.Ltmp0:
0xad: {  	(pc) =	sbr.rel @p0 .LBB2_2-.Ltmp0, $4  }
0xae: {  	v34 =	vpop (erf)  }
0xaf: {  	s23 =	sadd.s32 $0x80, s23;
	[tilespmem:s22+$0x0] =	vst v34;
	v34 =	vmul.f32 v34, v33  }
0xb0: {  	s19 =	sadd.s32 $0x10, s19;
	s20 =	sadd.s32 $0x10, s20;
	s28 =	sand.u32 $0x70, s28  }
0xb1: {  	s30 =	smov.u32 s26;
	s29 =	sand.u32 $0x400, s23;
	v33 =	vsel vm0, $0xF, v35;
	[tilespmem:s21+$0x0] =	vst v34;
	s21 =	sadd.s32 $0x10, s21  }
0xb2: {  	[tilespmem:s25+$0x0] =	vst v33  }
0xb3: {  	s23 =	sor.u32 s28, s29;
	[tilespmem:s24+$0x0] =	vst v32  }
0xb4: {  	v32 =	vld [tilespmem:s23+$0x80]  }
0xb5: {  	v33 =	vld [tilespmem:s23+$0x0];
	_ =	sdelay $0x4  }
0xb6: {  	v34 =	vld [tilespmem:s23+$0x100];
	v20 =	vadd.f32 v32, v20;
	v19 =	vadd.f32 v33, v19  }
0xb7: {  	v39 =	vimm.s32 $0x0  }
0xb8: {  	v38 =	vld [tilespmem:s23+$0x180];
	vm0 =	vlt.f32 v20, $-Inf;
	vm1 =	vgt.f32 v20, $-Inf;
	vm2 =	vgt.f32 v20, v19  }
0xb9: {  	v40 =	vimm.s32 $0x0;
	v33 =	vsel vm2, $0xFFFFFFFF, v39;
	vm0 =	vmor vm1, vm0  }
0xba: {  	v41 =	vimm.s32 $0x0;
	vm10 =	vmneg vm2;
	[tilespmem:$0x1FE00] =	vst v33;
	v33 =	vsel vm0, $0xFFFFFFFF, v40  }
0xbb: {  	v43 =	vld [tilespmem:s23+$0x200];
	v16 =	vadd.f32 v34, v16;
	v42 =	vnsel vm0, $0xFF800000, v20;
	[tilespmem:$0x1FDF0] =	vst v33;
	v33 =	vsel vm10, $0xFFFFFFFF, v41  }
0xbc: {  	v44 =	vimm.s32 $0x0;
	[tilespmem:$0x1FDE0] =	vst v33;
	v33 =	vsel vm10, v42, v19  }
0xbd: {  	v17 =	vadd.f32 v38, v17;
	v19 =	vsel vm10, v19, v20;
	vm11 =	vgt.f32 v16, v33  }
0xbe: {  	vm12 =	vgt.f32 v16, v19;
	v20 =	vsel vm11, $0xFFFFFFFF, v44;
	v45 =	vsel vm11, v16, v33  }
0xbf: {  	v47 =	vimm.s32 $0x0;
	[tilespmem:$0x1FE10] =	vst v20;
	v20 =	vsel vm12, v19, v45  }
0xc0: {  	v46 =	vld [tilespmem:s23+$0x280];
	v18 =	vadd.f32 v43, v18;
	v16 =	vsel vm12, v16, v19;
	vm15 =	vgt.f32 v17, v20  }
0xc1: {  	vm10 =	vgt.f32 v17, v16;
	v19 =	vsel vm15, $0xFFFFFFFF, v47;
	v48 =	vsel vm15, v17, v20  }
0xc2: {  	[tilespmem:$0x1FE20] =	vst v19;
	v19 =	vsel vm10, v16, v48  }
0xc3: {  	v49 =	vld [tilespmem:s23+$0x300];
	v16 =	vsel vm10, v17, v16;
	v17 =	vimm.s32 $0x0;
	vm4 =	vgt.f32 v18, v19  }
0xc4: {  	v17 =	vsel vm4, $0xFFFFFFFF, v17  }
0xc5: {  	v50 =	vadd.f32 v46, v21;
	vm8 =	vgt.f32 v18, v16;
	[tilespmem:$0x1FE30] =	vst v17;
	v17 =	vsel vm4, v18, v19  }
0xc6: {  	v51 =	vld [tilespmem:s23+$0x380];
	v17 =	vsel vm8, v16, v17  }
0xc7: {  	v16 =	vsel vm8, v18, v16;
	vm5 =	vgt.f32 v50, v17  }
0xc8: {  	v53 =	vadd.f32 v49, v22;
	vm9 =	vgt.f32 v50, v16;
	v17 =	vsel vm5, v50, v17  }
0xc9: {  	v54 =	vld [tilespmem:s23+$0x800];
	v17 =	vsel vm9, v16, v17  }
0xca: {  	v16 =	vsel vm9, v50, v16;
	vm6 =	vgt.f32 v53, v17  }
0xcb: {  	v56 =	vadd.f32 v51, v23;
	vm11 =	vgt.f32 v53, v16;
	v17 =	vsel vm6, v53, v17  }
0xcc: {  	v57 =	vld [tilespmem:s23+$0x880];
	v17 =	vsel vm11, v16, v17  }
0xcd: {  	v52 =	vimm.s32 $0x0;
	v60 =	vld [tilespmem:s23+$0x900];
	v16 =	vsel vm11, v53, v16;
	vm7 =	vgt.f32 v56, v17  }
0xce: {  	v59 =	vadd.f32 v54, v24;
	vm13 =	vgt.f32 v56, v16;
	v17 =	vsel vm7, v56, v17  }
0xcf: {  	v55 =	vimm.s32 $0x0;
	v58 =	vimm.s32 $0x0;
	v17 =	vsel vm13, v16, v17  }
0xd0: {  	v61 =	vimm.s32 $0x0;
	v63 =	vld [tilespmem:s23+$0x980];
	v16 =	vsel vm13, v56, v16;
	vm4 =	vgt.f32 v59, v17  }
0xd1: {  	v62 =	vadd.f32 v57, v25;
	vm15 =	vgt.f32 v59, v16;
	v17 =	vsel vm4, v59, v17  }
0xd2: {  	v24 =	vadd.f32 v60, v26;
	v26 =	vimm.s32 $0x0;
	v17 =	vsel vm15, v16, v17  }
0xd3: {  	v18 =	vsel vm5, $0xFFFFFFFF, v52;
	v16 =	vsel vm15, v59, v16;
	vm5 =	vgt.f32 v62, v17  }
0xd4: {  	v25 =	vld [tilespmem:s23+$0xA00];
	[tilespmem:$0x1FE40] =	vst v18;
	v18 =	vsel vm7, $0xFFFFFFFF, v58;
	vm7 =	vgt.f32 v62, v16;
	v17 =	vsel vm5, v62, v17  }
0xd5: {  	v32 =	vadd.f32 v63, v27;
	v19 =	vsel vm6, $0xFFFFFFFF, v55;
	v17 =	vsel vm7, v16, v17  }
0xd6: {  	[tilespmem:$0x1FE50] =	vst v19;
	v19 =	vsel vm4, $0xFFFFFFFF, v61;
	v16 =	vsel vm7, v62, v16;
	vm6 =	vgt.f32 v24, v17  }
0xd7: {  	v33 =	vld [tilespmem:s23+$0xA80];
	[tilespmem:$0x1FE70] =	vst v19;
	v19 =	vsel vm6, $0xFFFFFFFF, v26;
	v17 =	vsel vm6, v24, v17;
	vm6 =	vgt.f32 v24, v16  }
0xd8: {  	v23 =	vimm.s32 $0x0;
	v17 =	vsel vm6, v16, v17  }
0xd9: {  	v35 =	vadd.f32 v25, v28;
	v16 =	vsel vm6, v24, v16;
	vm14 =	vgt.f32 v32, v17  }
0xda: {  	[tilespmem:$0x1FE60] =	vst v18;
	v18 =	vsel vm5, $0xFFFFFFFF, v23;
	vm5 =	vgt.f32 v32, v16;
	v17 =	vsel vm14, v32, v17  }
0xdb: {  	v37 =	vimm.s32 $0x0;
	v36 =	vld [tilespmem:s23+$0xB00];
	v17 =	vsel vm5, v16, v17  }
0xdc: {  	v38 =	vadd.f32 v33, v29;
	v16 =	vsel vm5, v32, v16;
	vm4 =	vgt.f32 v35, v17  }
0xdd: {  	[tilespmem:$0x1FE90] =	vst v19;
	v19 =	vsel vm4, $0xFFFFFFFF, v37;
	v17 =	vsel vm4, v35, v17;
	vm4 =	vgt.f32 v35, v16  }
0xde: {  	v34 =	vimm.s32 $0x0;
	v39 =	vld [tilespmem:s23+$0xB80];
	v17 =	vsel vm4, v16, v17  }
0xdf: {  	[tilespmem:$0x1FE80] =	vst v18;
	v18 =	vsel vm14, $0xFFFFFFFF, v34;
	v16 =	vsel vm4, v35, v16;
	vm14 =	vgt.f32 v38, v17  }
0xe0: {  	v41 =	vadd.f32 v36, v30;
	vm3 =	vgt.f32 v38, v16;
	v17 =	vsel vm14, v38, v17  }
0xe1: {  	v40 =	vimm.s32 $0x0;
	v17 =	vsel vm3, v16, v17  }
0xe2: {  	[tilespmem:$0x1FEA0] =	vst v18;
	v18 =	vsel vm14, $0xFFFFFFFF, v40;
	v16 =	vsel vm3, v38, v16;
	vm14 =	vgt.f32 v41, v17  }
0xe3: {  	v43 =	vadd.f32 v39, v31;
	vm2 =	vgt.f32 v41, v16;
	v17 =	vsel vm14, v41, v17  }
0xe4: {  	v42 =	vimm.s32 $0x0;
	v17 =	vsel vm2, v16, v17  }
0xe5: {  	[tilespmem:$0x1FEB0] =	vst v19;
	v19 =	vsel vm14, $0xFFFFFFFF, v42;
	v16 =	vsel vm2, v41, v16;
	vm14 =	vgt.f32 v43, v17  }
0xe6: {  	vm1 =	vgt.f32 v43, v16;
	v17 =	vsel vm14, v43, v17  }
0xe7: {  	v45 =	vsel vm1, v43, v16;
	v16 =	vsel vm1, v16, v17;
	v17 =	vld [tilespmem:$0x1FDE0];
	_ =	sdelay $0x4  }
0xe8: {  	vm0 =	vnez.u8 v17;
	v17 =	vld [tilespmem:$0x1FDF0]  }
0xe9: {  	v46 =	vld [tilespmem:$0x1FE00]  }
0xea: {  	v47 =	vld [tilespmem:$0x1FE10];
	_ =	sdelay $0x1  }
0xeb: {  	v44 =	vimm.s32 $0x0;
	v48 =	vld [tilespmem:$0x1FE20]  }
0xec: {  	[tilespmem:$0x1FEC0] =	vst v18;
	v18 =	vsel vm14, $0xFFFFFFFF, v44;
	vm14 =	vnez.u8 v17  }
0xed: {  	v49 =	vld [tilespmem:$0x1FE30];
	v16 =	vsub.f32 v16, v45;
	vm0 =	vmand vm0, vm14;
	vm14 =	vnez.u8 v46  }
0xee: {  	[tilespmem:$0x1FEE0] =	vst v18;
	v17 =	vsel vm0, $0x1, v0;
	v18 =	vsel vm14, $0x1, v0;
	vm14 =	vnez.u8 v47  }
0xef: {  	v50 =	vld [tilespmem:$0x1FE40];
	v16 =	vmul.f32 $1.442695020e+00, v16;
	v17 =	vsel vm14, $0x2, v17  }
0xf0: {  	v17 =	vsel vm12, v18, v17;
	v18 =	vsel vm12, $0x2, v18;
	vm12 =	vnez.u8 v48  }
0xf1: {  	v51 =	vld [tilespmem:$0x1FE50];
	v17 =	vsel vm12, $0x3, v17  }
0xf2: {  	(erf) = vpow2.f32 v16;
	vm14 =	vnez.u8 v49;
	v16 =	vsel vm10, v18, v17  }
0xf3: {  	v52 =	vld [tilespmem:$0x1FE60];
	v17 =	vsel vm10, $0x3, v18;
	v16 =	vsel vm14, $0x4, v16  }
0xf4: {  	vm10 =	vnez.u8 v50;
	v16 =	vsel vm8, v17, v16  }
0xf5: {  	v54 =	vld [tilespmem:$0x1FE70];
	v17 =	vsel vm8, $0x4, v17;
	v16 =	vsel vm10, $0x5, v16  }
0xf6: {  	vm12 =	vnez.u8 v51;
	v16 =	vsel vm9, v17, v16  }
0xf7: {  	v56 =	vld [tilespmem:$0x1FE80];
	v17 =	vsel vm9, $0x5, v17;
	v16 =	vsel vm12, $0x6, v16  }
0xf8: {  	vm14 =	vnez.u8 v52;
	v16 =	vsel vm11, v17, v16  }
0xf9: {  	v57 =	vld [tilespmem:$0x1FE90];
	v17 =	vsel vm11, $0x6, v17;
	v16 =	vsel vm14, $0x7, v16  }
0xfa: {  	vm8 =	vnez.u8 v54;
	v16 =	vsel vm13, v17, v16  }
0xfb: {  	v58 =	vld [tilespmem:$0x1FEA0];
	v17 =	vsel vm13, $0x7, v17;
	v16 =	vsel vm8, $0x8, v16  }
0xfc: {  	vm9 =	vnez.u8 v56;
	v16 =	vsel vm15, v17, v16  }
0xfd: {  	v59 =	vld [tilespmem:$0x1FEB0];
	v17 =	vsel vm15, $0x8, v17;
	v16 =	vsel vm9, $0x9, v16  }
0xfe: {  	vm10 =	vnez.u8 v57;
	v16 =	vsel vm7, v17, v16  }
0xff: {  	v60 =	vld [tilespmem:$0x1FEC0];
	v53 =	vpop (erf);
	v17 =	vsel vm7, $0x9, v17;
	v16 =	vsel vm10, $0xA, v16  }
0x100: {  	[tilespmem:$0x1FED0] =	vst v19;
	v55 =	vadd.f32 $1.000000000e+00, v53;
	vm11 =	vnez.u8 v58;
	v16 =	vsel vm6, v17, v16  }
0x101: {  	v62 =	vld [tilespmem:$0x1FED0];
	v17 =	vsel vm6, $0xA, v17;
	v16 =	vsel vm11, $0xB, v16  }
0x102: {  	(erf) = vrcp.f32 v55;
	vm12 =	vnez.u8 v59;
	v16 =	vsel vm5, v17, v16  }
0x103: {  	v17 =	vsel vm5, $0xB, v17;
	v16 =	vsel vm12, $0xC, v16  }
0x104: {  	vm13 =	vnez.u8 v60;
	v16 =	vsel vm4, v17, v16  }
0x105: {  	v17 =	vsel vm4, $0xC, v17;
	v16 =	vsel vm13, $0xD, v16  }
0x106: {  	vm14 =	vnez.u8 v62;
	v16 =	vsel vm3, v17, v16  }
0x107: {  	v17 =	vsel vm3, $0xD, v17;
	v16 =	vsel vm14, $0xE, v16  }
0x108: {  	v63 =	vsel vm2, $0xE, v17;
	v16 =	vsel vm2, v17, v16;
	v17 =	vld [tilespmem:$0x1FEE0];
	_ =	sdelay $0x2  }
0x109: {  	v61 =	vpop (erf)  }
0x10a: {  	s22 =	sadd.s32 $0x10, s22;
	v18 =	vmul.f32 v61, v53  }
0x10b: {  	[tilespmem:s22+$0x0] =	vst v61;
	vm15 =	vnez.u8 v17  }
0x10c: {  	[tilespmem:s21+$0x0] =	vst v18;
	v17 =	vsel vm1, $0xF, v63;
	v16 =	vsel vm15, $0xF, v16  }
0x10d: {  	[tilespmem:s19+$0x0] =	vst v17;
	v16 =	vsel vm1, v63, v16  }
0x10e: {  	[tilespmem:s20+$0x0] =	vst v16  }
0x10f: {  	[hbm4b:s5+s3] =	stream.linear.scatter [tilespmem:s14], [sflag:$0x1], $0x100, $0x38;
	[tilespmem:$0x1480] =	vst v63  }
0x110: {  	_ =	swait.ge [sflag:s11], $0x100  }
0x111: {  	[sflag:s11] =	ssyncset.done $0x0  }
0x112: {  	[sflag:s11] =	ssyncadd.s32 $0xFFFFFF00  }
0x113: {  	[hbm4b:s6+s3] =	stream.linear.scatter [tilespmem:s15], [sflag:$0x1], $0x100, $0x38;
	[tilespmem:$0x1480] =	vst v63  }
0x114: {  	_ =	swait.ge [sflag:s11], $0x100  }
0x115: {  	[sflag:s11] =	ssyncset.done $0x0  }
0x116: {  	[sflag:s11] =	ssyncadd.s32 $0xFFFFFF00  }
0x117: {  	[hbm4b:s7+s3] =	stream.linear.scatter [tilespmem:s16], [sflag:$0x1], $0x100, $0x38;
	[tilespmem:$0x1480] =	vst v63  }
0x118: {  	s18 =	sadd.s32 $0x1, s18;
	_ =	swait.ge [sflag:s11], $0x100  }
0x119: {  	p0 =	sne.s32 s18, s9;
	[sflag:s11] =	ssyncset.done $0x0  }
.Ltmp1:
0x11a: {  	[sflag:s11] =	ssyncadd.s32 $0xFFFFFF00;
	(pc) =	sbr.rel @p0 .LBB2_1-.Ltmp1, $4  }
0x11b: {  	[hbm4b:s8+s3] =	stream.linear.scatter [tilespmem:s17], [sflag:$0x1], $0x100, $0x38;
	[tilespmem:$0x1480] =	vst v63  }
0x11c: {  	_ =	swait.ge [sflag:s11], $0x100  }
0x11d: {  	[sflag:s11] =	ssyncset.done $0x0  }
0x11e: {  	[sflag:s11] =	ssyncadd.s32 $0xFFFFFF00  }
0x11f: {  	_ =	sfence.sel $0x180000  }
0x120: {  	[bflag:$0x0] =	sbarrier.arrive $0xFFFF  }
0x121: {  	p0 =	sne.s32 s1, $0x0;
	_ =	strace $0x90000047  }
0x122: {  	s0 =	sadd.s32 @!p0 $0x100000, s0;
	[bflag:$0x2] =	sbarrier.arrive $0xFFFF  }
0x123: {  	[sflag:s0] =	ssyncadd.tile.s32 @!p0 $0x1;
	_ =	shalt  }
.Lfunc_end2:
_tile_overlayer_lowered:
.L_overlay_start_2:
0x124: {  	(tag) =	ssettag $0x2  }
0x125: {  	s0 =	rddreg [dreg:$0x0];
	s2 =	stileid.u32  }
0x126: {  	s1 =	rddreg [dreg:$0x1];
	p0 =	sne.s32 s2, $0x0  }
0x127: {  	s3 =	rddreg [dreg:$0x2];
	[bflag:$0x3] =	sbarrier.arrive $0xFFFF;
	s2 =	simm.s32 @!p0 $0x1C01  }
0x128: {  	[timem:s3], [sflag:s2] =	dma.local @!p0 [hbm:s0], s1  }
0x129: {  	s0 =	simm.s32 @!p0 $0x1  }
0x12a: {  	_ =	swait.ge @!p0 [sflag:s0], s1  }
0x12b: {  	s1 =	ssub.s32 @!p0 $0x0, s1;
	[sflag:s0] =	ssyncset.done @!p0 $0x0  }
0x12c: {  	[sflag:s0] =	ssyncadd.s32 @!p0 s1  }
0x12d: {  	[bflag:$0x3] =	sbarrier.arrive $0xFFFF  }
0x12e: {  	_ =	shalt  }

</sc_bundles>
